<compile_context>
chip_gen: v7x
topology: tpu7x:2x2x1
jax: 0.10.2.dev20260603
libtpu: 0.0.44.dev20260713+nightly
codegen_flags: <defaults>
</compile_context>

<pallas_src>
import functools

import jax
import jax.numpy as jnp
import numpy as np
from jax import lax
from jax.experimental import pallas as pl
from jax.experimental.pallas import tpu as pltpu
from jax.experimental.pallas import tpu_sc as plsc


_B, _C, _P, _NC1, _KL = 4, 256, 1024, 21, 32


def _sc_downsample_body(lab_hbm, out_hbm, idx_v, out_v, sem):
    wid = lax.axis_index("s") * 2 + lax.axis_index("c")
    t16 = lax.broadcasted_iota(jnp.int32, (16,), 0)
    for s in range(8):
        q = wid * 128 + s * 16 + t16
        idx_v[pl.ds(s * 16, 16)] = (((q >> 10) << 18) +
                                    (((q >> 5) & 31) << 13) + ((q & 31) << 4))
    pltpu.async_copy(lab_hbm.at[idx_v], out_v, sem).wait()
    pltpu.sync_copy(out_v, out_hbm.at[pl.ds(wid * 128, 128)])


def _sc_downsample(labels1d):
    mesh = plsc.VectorSubcoreMesh(core_axis_name="c", subcore_axis_name="s")
    f = functools.partial(
        pl.kernel,
        out_type=jax.ShapeDtypeStruct((_B * _P, ), jnp.int32),
        mesh=mesh,
        scratch_types=[
            pltpu.VMEM((128,), jnp.int32),
            pltpu.VMEM((128,), jnp.int32),
            pltpu.SemaphoreType.DMA,
        ],
    )(_sc_downsample_body)
    return f(labels1d)


def _dot2(x, y):
    f32 = jnp.float32
    xh = x.astype(jnp.bfloat16).astype(f32)
    xl = x - xh
    dims = (((1,), (0,)), ((), ()))
    return (jax.lax.dot_general(xh, y, dims, preferred_element_type=f32) +
            jax.lax.dot_general(xl, y, dims, preferred_element_type=f32))


def _loss_kernel(ld_ref, feat_ref, proto_ref, out_ref):
    f32 = jnp.float32
    HI = jax.lax.Precision.HIGHEST
    ld = ld_ref[...]
    feat = feat_ref[...]
    proto = proto_ref[...]

    kio = jax.lax.broadcasted_iota(jnp.int32, (_B, _P, _KL), 2)
    oh = (ld[:, :, None] == kio).astype(f32)
    n_f = jnp.sum(oh, axis=1)

    pio_r = jax.lax.broadcasted_iota(jnp.int32, (_P, _P), 0)
    pio_c = jax.lax.broadcasted_iota(jnp.int32, (_P, _P), 1)
    LT = (pio_c < pio_r).astype(f32)
    kio_col = jax.lax.broadcasted_iota(jnp.int32, (_KL, 1), 0)
    ohT_list = []
    rank_rows = []
    rs_list = []
    for b in range(_B):
        ohT_b = (ld[b:b + 1] == kio_col).astype(f32)
        ohT_list.append(ohT_b)
        cumsT_b = jax.lax.dot_general(
            ohT_b, LT, (((1,), (1,)), ((), ())),
            preferred_element_type=f32)
        rank_rows.append(jnp.sum(cumsT_b * ohT_b, axis=0, keepdims=True))
        rs_list.append(_dot2(feat[b], oh[b])[None])
    rank = jnp.concatenate(rank_rows, axis=0)
    RS = jnp.concatenate(rs_list, axis=0)

    g = jnp.sum(feat * feat, axis=1)
    ssq_all = jnp.sum(jnp.sum(g[:, :, None] * oh, axis=1), axis=0,
                      keepdims=True)

    n0, n1, n2, n3 = n_f[0:1], n_f[1:2], n_f[2:3], n_f[3:4]
    S_f = jnp.concatenate(
        [jnp.zeros_like(n0), n0, n0 + n1, n0 + n1 + n2], axis=0)
    N_f = n0 + n1 + n2 + n3
    Nsafe_row = jnp.maximum(N_f, 1.0)

    cCcol = jax.lax.broadcasted_iota(jnp.int32, (_C, 1), 0).astype(f32)
    q0_list, A_list = [], []
    for b in range(_B):
        n_row = n_f[b:b + 1]
        S_row = S_f[b:b + 1]
        x0 = _C * S_row + cCcol * n_row
        q0 = jnp.floor(x0 / Nsafe_row)
        q0 = q0 + ((q0 + 1.0) * Nsafe_row <= x0).astype(f32)
        q0 = q0 - (q0 * Nsafe_row > x0).astype(f32)
        split = jnp.minimum((q0 + 1.0) * Nsafe_row - x0, n_row)
        split_g = _dot2(split, ohT_list[b])
        contrib = jnp.where(rank[b:b + 1] < split_g, feat[b], 0.0)
        A_list.append(_dot2(contrib, oh[b])[None])
        q0_list.append(q0[None])
    A_st = jnp.concatenate(A_list, axis=0)
    q0_st = jnp.concatenate(q0_list, axis=0)

    j3 = jax.lax.broadcasted_iota(jnp.int32, (1, 1, _C), 2).astype(f32)
    zfill = jnp.zeros((1, 1), f32)
    sums_rows = []
    for cl in range(1, _NC1):
        q0_sl = q0_st[:, :, cl:cl + 1]
        A_sl = A_st[:, :, cl:cl + 1]
        R_sl = RS[:, :, cl:cl + 1]
        E = q0_sl == j3
        U = jnp.sum(jnp.sum(jnp.where(E, A_sl, 0.0), axis=0), axis=0,
                    keepdims=True)
        V = jnp.sum(jnp.sum(jnp.where(E, R_sl, 0.0), axis=0), axis=0,
                    keepdims=True)
        W = V - U
        Wsh = jnp.concatenate([zfill, W[:, :_C - 1]], axis=1)
        sums_rows.append(U + Wsh)
    sums_all = jnp.concatenate(sums_rows, axis=0)

    lane = jax.lax.broadcasted_iota(jnp.int32, (1, _KL), 1)
    row20 = jax.lax.broadcasted_iota(jnp.int32, (_NC1 - 1, 1), 0)
    NredCol = jnp.sum(N_f * ((row20 + 1) == lane).astype(f32),
                      axis=1, keepdims=True)
    ssqCol = jnp.sum(ssq_all * ((row20 + 1) == lane).astype(f32),
                     axis=1, keepdims=True)
    Nredsafe = jnp.maximum(NredCol, 1.0)
    presf = NredCol > 0.0
    presfT = N_f[:, 1:_NC1] > 0.0
    Kp = jnp.sum(presf.astype(f32), axis=0, keepdims=True)
    Ksafe = jnp.maximum(Kp, 1.0)

    proto_red = proto[1:_NC1]
    dots = jnp.sum(proto_red * sums_all, axis=1, keepdims=True)
    psq = jnp.sum(proto_red * proto_red, axis=1, keepdims=True)
    mse = (ssqCol - 2.0 * dots + Nredsafe * psq) / (_C * Nredsafe)

    loss_fc = jnp.zeros((1, 1), f32)
    for i in range(_NC1 - 1):
        loss_fc = jnp.where(presf[i:i + 1], (loss_fc + mse[i:i + 1]) / Ksafe,
                            loss_fc)

    flm = jnp.where(presf, sums_all / Nredsafe, 0.0)
    G = jax.lax.dot_general(flm, flm, (((1,), (1,)), ((), ())),
                            preferred_element_type=f32,
                            precision=HI)
    eio_r = jax.lax.broadcasted_iota(jnp.int32, (_NC1 - 1, _NC1 - 1), 0)
    eio_c = jax.lax.broadcasted_iota(jnp.int32, (_NC1 - 1, _NC1 - 1), 1)
    eyeb = eio_r == eio_c
    eyef = eyeb.astype(f32)
    diag = jnp.sum(G * eyef, axis=1, keepdims=True)
    diagT = jnp.sum(G * eyef, axis=0, keepdims=True)
    sq = diag + diagT - 2.0 * G
    pair = (presf & presfT) & (~eyeb)
    sq_safe = jnp.where(pair, sq, 1.0)
    inv = 1.0 / jnp.sqrt(sq_safe)
    offd = pair.astype(f32)
    denom = jnp.sum(jnp.sum(offd, axis=1, keepdims=True), axis=0, keepdims=True)
    lsep = jnp.sum(jnp.sum(inv * offd, axis=1, keepdims=True),
                   axis=0, keepdims=True) / jnp.maximum(denom, 1.0)
    lsep = jnp.where(jnp.isnan(lsep), 0.0, lsep)
    loss_sep = jnp.where(Kp > 1.0, lsep, jnp.zeros((1, 1), f32))

    out_ref[...] = loss_fc + loss_sep


def kernel(labels, features_old, features, outputs_old, outputs, prototypes,
           num_class, num_old_class, num_new_class, epoch, train_step,
           len_epoch):
    B, C, h, w = features.shape
    H, W = labels.shape[1], labels.shape[2]
    ld = _sc_downsample(labels.astype(jnp.int32).reshape(B * H * W))
    ld = ld.reshape(B, h * w)
    feat = features.reshape(B, C, h * w)
    out = pl.pallas_call(
        _loss_kernel,
        out_shape=jax.ShapeDtypeStruct((1, 1), jnp.float32),
    )(ld, feat, prototypes)
    return out[0, 0]

# --- scband reference (transcript-rebuilt; emitter-appended) ---
"""Pipeline reference for scband-sdr-contrastive-loss-33414845562969 (READ-ONLY COPY).

The authoritative reference and input builder live on the scoring server;
editing this copy changes nothing except your own understanding.
"""

import jax, jax.numpy as jnp
import numpy as np


def _downsample_nearest(labels_np, h, w):
    H, W = labels_np.shape[1], labels_np.shape[2]
    ih = (np.arange(h) * H) // h
    iw = (np.arange(w) * W) // w
    return labels_np[:, ih][:, :, iw]


def setup_inputs(seed: int = 0):
    key = jax.random.key(seed)
    ks = jax.random.split(key, 6)
    B, C, h, w, H, W, NC = 4, 256, 32, 32, 512, 512, 20
    labels = jax.random.randint(ks[0], (B, H, W), 0, NC + 1)
    features_old = jax.random.normal(ks[1], (B, C, h, w), jnp.float32)
    features = jax.random.normal(ks[2], (B, C, h, w), jnp.float32)
    outputs_old = jax.random.normal(ks[3], (B, NC + 1, H, W), jnp.float32)
    outputs = jax.random.normal(ks[4], (B, NC + 1, H, W), jnp.float32)
    prototypes = jax.random.normal(ks[5], (NC + 1, C), jnp.float32)
    return {"labels": labels, "features_old": features_old, "features": features,
            "outputs_old": outputs_old, "outputs": outputs, "prototypes": prototypes,
            "num_class": NC, "num_old_class": 15, "num_new_class": 5,
            "epoch": 1, "train_step": 0, "len_epoch": 100}


def reference(labels, features_old, features, outputs_old, outputs, prototypes,
              num_class, num_old_class, num_new_class, epoch, train_step, len_epoch):
    B, C, h, w = features.shape
    NC1 = prototypes.shape[0]
    labels_down = _downsample_nearest(labels, h, w)
    feats_flat = features.reshape(-1)
    cls = jnp.arange(1, NC1)
    present = jnp.any(labels_down[None, :, :, :] == cls[:, None, None, None],
                      axis=(1, 2, 3))
    K = jnp.sum(present.astype(jnp.int32))
    K_safe = jnp.maximum(K, 1)
    loss_fc0 = jnp.float32(0.0) * num_class
    flm0 = jnp.zeros((NC1, C), dtype=features.dtype)

    def body(i, carry):
        loss_fc, flm = carry
        cl = i + 1
        mask = (labels_down == cl)
        mask_e = jnp.broadcast_to(mask[:, None, :, :], (B, C, h, w)).reshape(-1)
        total = jnp.sum(mask_e.astype(jnp.int32))
        N = total // C
        N_safe = jnp.maximum(N, 1)
        rank = jnp.cumsum(mask_e.astype(jnp.int32)) - 1
        row = jnp.where(mask_e, rank // N_safe, 0)
        vals = jnp.where(mask_e, feats_flat, jnp.float32(0.0))
        sums = jnp.zeros((C,), dtype=features.dtype).at[row].add(vals)
        mean_c = sums / N_safe.astype(features.dtype)
        proto_cl = prototypes[cl]
        sq = jnp.where(mask_e, (feats_flat - jnp.take(proto_cl, row)) ** 2,
                       jnp.float32(0.0))
        mse = jnp.sum(sq) / (C * N_safe).astype(features.dtype)
        pres = N > 0
        flm = flm.at[cl].set(jnp.where(pres, mean_c, flm[cl]))
        loss_fc = jnp.where(pres, (loss_fc + mse) / K_safe, loss_fc)
        return (loss_fc, flm)

    loss_fc, flm = jax.lax.fori_loop(0, NC1 - 1, body, (loss_fc0, flm0))
    flm_red = flm[1:]
    diff = flm_red[:, None, :] - flm_red[None, :, :]
    sq = jnp.sum(diff * diff, axis=-1)
    eye = jnp.eye(NC1 - 1, dtype=bool)
    pair = (present[:, None] & present[None, :]) & (~eye)
    sq_safe = jnp.where(pair, sq, 1.0)
    inv = 1.0 / jnp.sqrt(sq_safe)
    offdiag = pair.astype(features.dtype)
    denom = jnp.sum(offdiag)
    lsep_t = jnp.sum(inv * offdiag) / jnp.maximum(denom, 1.0)
    lsep_t = jnp.where(jnp.isnan(lsep_t), 0.0, lsep_t)
    loss_sep = jnp.where(K > 1, lsep_t, jnp.float32(0.0))
    return loss_fc + loss_sep

if __name__ == "__main__":
    import jax
    _d = setup_inputs()
    print(jax.jit(kernel)(*tuple(_d.values())))

</pallas_src>

<mosaic_0001>
#map = affine_map<(d0, d1) -> (0)>
module attributes {stable_mosaic.version = 14 : i64} {
  func.func @_sc_downsample_body(%arg0: i32, %arg1: i32, %arg2: memref<1048576xi32, #tpu.memory_space<hbm>>, %arg3: memref<4096xi32, #tpu.memory_space<hbm>>, %arg4: memref<128xi32, #tpu.memory_space<vmem>>, %arg5: memref<128xi32, #tpu.memory_space<vmem>>, %arg6: memref<!tpu.dma_semaphore, #tpu.memory_space<semaphore_mem>>) attributes {dimension_semantics = [#tpu.dimension_semantics<core_parallel>, #tpu.dimension_semantics<subcore_parallel>], iteration_bounds = array<i64: 2, 16>, scalar_prefetch = 0 : i64, scratch_operands = 3 : i64, tpu.core_type = #tpu.core_type<sc_vector_subcore>, window_params = [{transform_indices = #map}, {transform_indices = #map}]} {
    %mul3A = arith.constant 2 : i32
    %mul3A_0 = arith.muli %arg1, %mul3A : i32
    %add3A = arith.addi %mul3A_0, %arg0 : i32
    %iota3A = tpu.iota {dimensions = array<i32: 0>} : vector<16xi32>
    %mul3A_1 = arith.constant 128 : i32
    %mul3A_2 = arith.muli %add3A, %mul3A_1 : i32
    %add3A_3 = arith.constant 0 : i32
    %add3A_4 = arith.addi %mul3A_2, %add3A_3 : i32
    %add3A_5 = vector.broadcast %add3A_4 : i32 to vector<16xi32>
    %add3A_6 = arith.addi %add3A_5, %iota3A : vector<16xi32>
    %shift_right_arithmetic3A = arith.constant 10 : i32
    %shift_right_arithmetic3A_7 = vector.broadcast %shift_right_arithmetic3A : i32 to vector<16xi32>
    %shift_right_arithmetic3A_8 = arith.shrsi %add3A_6, %shift_right_arithmetic3A_7 : vector<16xi32>
    %shift_left3A = arith.constant 18 : i32
    %shift_left3A_9 = vector.broadcast %shift_left3A : i32 to vector<16xi32>
    %shift_left3A_10 = arith.shli %shift_right_arithmetic3A_8, %shift_left3A_9 : vector<16xi32>
    %shift_right_arithmetic3A_11 = arith.constant 5 : i32
    %shift_right_arithmetic3A_12 = vector.broadcast %shift_right_arithmetic3A_11 : i32 to vector<16xi32>
    %shift_right_arithmetic3A_13 = arith.shrsi %add3A_6, %shift_right_arithmetic3A_12 : vector<16xi32>
    %and3A = arith.constant 31 : i32
    %and3A_14 = vector.broadcast %and3A : i32 to vector<16xi32>
    %and3A_15 = arith.andi %shift_right_arithmetic3A_13, %and3A_14 : vector<16xi32>
    %shift_left3A_16 = arith.constant 13 : i32
    %shift_left3A_17 = vector.broadcast %shift_left3A_16 : i32 to vector<16xi32>
    %shift_left3A_18 = arith.shli %and3A_15, %shift_left3A_17 : vector<16xi32>
    %add3A_19 = arith.addi %shift_left3A_10, %shift_left3A_18 : vector<16xi32>
    %and3A_20 = arith.constant 31 : i32
    %and3A_21 = vector.broadcast %and3A_20 : i32 to vector<16xi32>
    %and3A_22 = arith.andi %add3A_6, %and3A_21 : vector<16xi32>
    %shift_left3A_23 = arith.constant 4 : i32
    %shift_left3A_24 = vector.broadcast %shift_left3A_23 : i32 to vector<16xi32>
    %shift_left3A_25 = arith.shli %and3A_22, %shift_left3A_24 : vector<16xi32>
    %add3A_26 = arith.addi %add3A_19, %shift_left3A_25 : vector<16xi32>
    %swap3A = arith.constant 0 : index
    %swap3A_27 = tpu.vector_load %arg4[%swap3A] {strides = array<i32>} : memref<128xi32, #tpu.memory_space<vmem>>, vector<16xi32>,
    %swap3A_28 = vector.shape_cast %swap3A_27 : vector<16xi32> to vector<16xi32>
    %swap3A_29 = vector.shape_cast %add3A_26 : vector<16xi32> to vector<16xi32>
    tpu.vector_store %arg4[%swap3A], %swap3A_29 {strides = array<i32>} : memref<128xi32, #tpu.memory_space<vmem>>, vector<16xi32>,
    %mul3A_30 = arith.constant 128 : i32
    %mul3A_31 = arith.muli %add3A, %mul3A_30 : i32
    %add3A_32 = arith.constant 16 : i32
    %add3A_33 = arith.addi %mul3A_31, %add3A_32 : i32
    %add3A_34 = vector.broadcast %add3A_33 : i32 to vector<16xi32>
    %add3A_35 = arith.addi %add3A_34, %iota3A : vector<16xi32>
    %shift_right_arithmetic3A_36 = arith.constant 10 : i32
    %shift_right_arithmetic3A_37 = vector.broadcast %shift_right_arithmetic3A_36 : i32 to vector<16xi32>
    %shift_right_arithmetic3A_38 = arith.shrsi %add3A_35, %shift_right_arithmetic3A_37 : vector<16xi32>
    %shift_left3A_39 = arith.constant 18 : i32
    %shift_left3A_40 = vector.broadcast %shift_left3A_39 : i32 to vector<16xi32>
    %shift_left3A_41 = arith.shli %shift_right_arithmetic3A_38, %shift_left3A_40 : vector<16xi32>
    %shift_right_arithmetic3A_42 = arith.constant 5 : i32
    %shift_right_arithmetic3A_43 = vector.broadcast %shift_right_arithmetic3A_42 : i32 to vector<16xi32>
    %shift_right_arithmetic3A_44 = arith.shrsi %add3A_35, %shift_right_arithmetic3A_43 : vector<16xi32>
    %and3A_45 = arith.constant 31 : i32
    %and3A_46 = vector.broadcast %and3A_45 : i32 to vector<16xi32>
    %and3A_47 = arith.andi %shift_right_arithmetic3A_44, %and3A_46 : vector<16xi32>
    %shift_left3A_48 = arith.constant 13 : i32
    %shift_left3A_49 = vector.broadcast %shift_left3A_48 : i32 to vector<16xi32>
    %shift_left3A_50 = arith.shli %and3A_47, %shift_left3A_49 : vector<16xi32>
    %add3A_51 = arith.addi %shift_left3A_41, %shift_left3A_50 : vector<16xi32>
    %and3A_52 = arith.constant 31 : i32
    %and3A_53 = vector.broadcast %and3A_52 : i32 to vector<16xi32>
    %and3A_54 = arith.andi %add3A_35, %and3A_53 : vector<16xi32>
    %shift_left3A_55 = arith.constant 4 : i32
    %shift_left3A_56 = vector.broadcast %shift_left3A_55 : i32 to vector<16xi32>
    %shift_left3A_57 = arith.shli %and3A_54, %shift_left3A_56 : vector<16xi32>
    %add3A_58 = arith.addi %add3A_51, %shift_left3A_57 : vector<16xi32>
    %swap3A_59 = arith.constant 16 : index
    %swap3A_60 = tpu.vector_load %arg4[%swap3A_59] {strides = array<i32>} : memref<128xi32, #tpu.memory_space<vmem>>, vector<16xi32>,
    %swap3A_61 = vector.shape_cast %swap3A_60 : vector<16xi32> to vector<16xi32>
    %swap3A_62 = vector.shape_cast %add3A_58 : vector<16xi32> to vector<16xi32>
    tpu.vector_store %arg4[%swap3A_59], %swap3A_62 {strides = array<i32>} : memref<128xi32, #tpu.memory_space<vmem>>, vector<16xi32>,
    %mul3A_63 = arith.constant 128 : i32
    %mul3A_64 = arith.muli %add3A, %mul3A_63 : i32
    %add3A_65 = arith.constant 32 : i32
    %add3A_66 = arith.addi %mul3A_64, %add3A_65 : i32
    %add3A_67 = vector.broadcast %add3A_66 : i32 to vector<16xi32>
    %add3A_68 = arith.addi %add3A_67, %iota3A : vector<16xi32>
    %shift_right_arithmetic3A_69 = arith.constant 10 : i32
    %shift_right_arithmetic3A_70 = vector.broadcast %shift_right_arithmetic3A_69 : i32 to vector<16xi32>
    %shift_right_arithmetic3A_71 = arith.shrsi %add3A_68, %shift_right_arithmetic3A_70 : vector<16xi32>
    %shift_left3A_72 = arith.constant 18 : i32
    %shift_left3A_73 = vector.broadcast %shift_left3A_72 : i32 to vector<16xi32>
    %shift_left3A_74 = arith.shli %shift_right_arithmetic3A_71, %shift_left3A_73 : vector<16xi32>
    %shift_right_arithmetic3A_75 = arith.constant 5 : i32
    %shift_right_arithmetic3A_76 = vector.broadcast %shift_right_arithmetic3A_75 : i32 to vector<16xi32>
    %shift_right_arithmetic3A_77 = arith.shrsi %add3A_68, %shift_right_arithmetic3A_76 : vector<16xi32>
    %and3A_78 = arith.constant 31 : i32
    %and3A_79 = vector.broadcast %and3A_78 : i32 to vector<16xi32>
    %and3A_80 = arith.andi %shift_right_arithmetic3A_77, %and3A_79 : vector<16xi32>
    %shift_left3A_81 = arith.constant 13 : i32
    %shift_left3A_82 = vector.broadcast %shift_left3A_81 : i32 to vector<16xi32>
    %shift_left3A_83 = arith.shli %and3A_80, %shift_left3A_82 : vector<16xi32>
    %add3A_84 = arith.addi %shift_left3A_74, %shift_left3A_83 : vector<16xi32>
    %and3A_85 = arith.constant 31 : i32
    %and3A_86 = vector.broadcast %and3A_85 : i32 to vector<16xi32>
    %and3A_87 = arith.andi %add3A_68, %and3A_86 : vector<16xi32>
    %shift_left3A_88 = arith.constant 4 : i32
    %shift_left3A_89 = vector.broadcast %shift_left3A_88 : i32 to vector<16xi32>
    %shift_left3A_90 = arith.shli %and3A_87, %shift_left3A_89 : vector<16xi32>
    %add3A_91 = arith.addi %add3A_84, %shift_left3A_90 : vector<16xi32>
    %swap3A_92 = arith.constant 32 : index
    %swap3A_93 = tpu.vector_load %arg4[%swap3A_92] {strides = array<i32>} : memref<128xi32, #tpu.memory_space<vmem>>, vector<16xi32>,
    %swap3A_94 = vector.shape_cast %swap3A_93 : vector<16xi32> to vector<16xi32>
    %swap3A_95 = vector.shape_cast %add3A_91 : vector<16xi32> to vector<16xi32>
    tpu.vector_store %arg4[%swap3A_92], %swap3A_95 {strides = array<i32>} : memref<128xi32, #tpu.memory_space<vmem>>, vector<16xi32>,
    %mul3A_96 = arith.constant 128 : i32
    %mul3A_97 = arith.muli %add3A, %mul3A_96 : i32
    %add3A_98 = arith.constant 48 : i32
    %add3A_99 = arith.addi %mul3A_97, %add3A_98 : i32
    %add3A_100 = vector.broadcast %add3A_99 : i32 to vector<16xi32>
    %add3A_101 = arith.addi %add3A_100, %iota3A : vector<16xi32>
    %shift_right_arithmetic3A_102 = arith.constant 10 : i32
    %shift_right_arithmetic3A_103 = vector.broadcast %shift_right_arithmetic3A_102 : i32 to vector<16xi32>
    %shift_right_arithmetic3A_104 = arith.shrsi %add3A_101, %shift_right_arithmetic3A_103 : vector<16xi32>
    %shift_left3A_105 = arith.constant 18 : i32
    %shift_left3A_106 = vector.broadcast %shift_left3A_105 : i32 to vector<16xi32>
    %shift_left3A_107 = arith.shli %shift_right_arithmetic3A_104, %shift_left3A_106 : vector<16xi32>
    %shift_right_arithmetic3A_108 = arith.constant 5 : i32
    %shift_right_arithmetic3A_109 = vector.broadcast %shift_right_arithmetic3A_108 : i32 to vector<16xi32>
    %shift_right_arithmetic3A_110 = arith.shrsi %add3A_101, %shift_right_arithmetic3A_109 : vector<16xi32>
    %and3A_111 = arith.constant 31 : i32
    %and3A_112 = vector.broadcast %and3A_111 : i32 to vector<16xi32>
    %and3A_113 = arith.andi %shift_right_arithmetic3A_110, %and3A_112 : vector<16xi32>
    %shift_left3A_114 = arith.constant 13 : i32
    %shift_left3A_115 = vector.broadcast %shift_left3A_114 : i32 to vector<16xi32>
    %shift_left3A_116 = arith.shli %and3A_113, %shift_left3A_115 : vector<16xi32>
    %add3A_117 = arith.addi %shift_left3A_107, %shift_left3A_116 : vector<16xi32>
    %and3A_118 = arith.constant 31 : i32
    %and3A_119 = vector.broadcast %and3A_118 : i32 to vector<16xi32>
    %and3A_120 = arith.andi %add3A_101, %and3A_119 : vector<16xi32>
    %shift_left3A_121 = arith.constant 4 : i32
    %shift_left3A_122 = vector.broadcast %shift_left3A_121 : i32 to vector<16xi32>
    %shift_left3A_123 = arith.shli %and3A_120, %shift_left3A_122 : vector<16xi32>
    %add3A_124 = arith.addi %add3A_117, %shift_left3A_123 : vector<16xi32>
    %swap3A_125 = arith.constant 48 : index
    %swap3A_126 = tpu.vector_load %arg4[%swap3A_125] {strides = array<i32>} : memref<128xi32, #tpu.memory_space<vmem>>, vector<16xi32>,
    %swap3A_127 = vector.shape_cast %swap3A_126 : vector<16xi32> to vector<16xi32>
    %swap3A_128 = vector.shape_cast %add3A_124 : vector<16xi32> to vector<16xi32>
    tpu.vector_store %arg4[%swap3A_125], %swap3A_128 {strides = array<i32>} : memref<128xi32, #tpu.memory_space<vmem>>, vector<16xi32>,
    %mul3A_129 = arith.constant 128 : i32
    %mul3A_130 = arith.muli %add3A, %mul3A_129 : i32
    %add3A_131 = arith.constant 64 : i32
    %add3A_132 = arith.addi %mul3A_130, %add3A_131 : i32
    %add3A_133 = vector.broadcast %add3A_132 : i32 to vector<16xi32>
    %add3A_134 = arith.addi %add3A_133, %iota3A : vector<16xi32>
    %shift_right_arithmetic3A_135 = arith.constant 10 : i32
    %shift_right_arithmetic3A_136 = vector.broadcast %shift_right_arithmetic3A_135 : i32 to vector<16xi32>
    %shift_right_arithmetic3A_137 = arith.shrsi %add3A_134, %shift_right_arithmetic3A_136 : vector<16xi32>
    %shift_left3A_138 = arith.constant 18 : i32
    %shift_left3A_139 = vector.broadcast %shift_left3A_138 : i32 to vector<16xi32>
    %shift_left3A_140 = arith.shli %shift_right_arithmetic3A_137, %shift_left3A_139 : vector<16xi32>
    %shift_right_arithmetic3A_141 = arith.constant 5 : i32
    %shift_right_arithmetic3A_142 = vector.broadcast %shift_right_arithmetic3A_141 : i32 to vector<16xi32>
    %shift_right_arithmetic3A_143 = arith.shrsi %add3A_134, %shift_right_arithmetic3A_142 : vector<16xi32>
    %and3A_144 = arith.constant 31 : i32
    %and3A_145 = vector.broadcast %and3A_144 : i32 to vector<16xi32>
    %and3A_146 = arith.andi %shift_right_arithmetic3A_143, %and3A_145 : vector<16xi32>
    %shift_left3A_147 = arith.constant 13 : i32
    %shift_left3A_148 = vector.broadcast %shift_left3A_147 : i32 to vector<16xi32>
    %shift_left3A_149 = arith.shli %and3A_146, %shift_left3A_148 : vector<16xi32>
    %add3A_150 = arith.addi %shift_left3A_140, %shift_left3A_149 : vector<16xi32>
    %and3A_151 = arith.constant 31 : i32
    %and3A_152 = vector.broadcast %and3A_151 : i32 to vector<16xi32>
    %and3A_153 = arith.andi %add3A_134, %and3A_152 : vector<16xi32>
    %shift_left3A_154 = arith.constant 4 : i32
    %shift_left3A_155 = vector.broadcast %shift_left3A_154 : i32 to vector<16xi32>
    %shift_left3A_156 = arith.shli %and3A_153, %shift_left3A_155 : vector<16xi32>
    %add3A_157 = arith.addi %add3A_150, %shift_left3A_156 : vector<16xi32>
    %swap3A_158 = arith.constant 64 : index
    %swap3A_159 = tpu.vector_load %arg4[%swap3A_158] {strides = array<i32>} : memref<128xi32, #tpu.memory_space<vmem>>, vector<16xi32>,
    %swap3A_160 = vector.shape_cast %swap3A_159 : vector<16xi32> to vector<16xi32>
    %swap3A_161 = vector.shape_cast %add3A_157 : vector<16xi32> to vector<16xi32>
    tpu.vector_store %arg4[%swap3A_158], %swap3A_161 {strides = array<i32>} : memref<128xi32, #tpu.memory_space<vmem>>, vector<16xi32>,
    %mul3A_162 = arith.constant 128 : i32
    %mul3A_163 = arith.muli %add3A, %mul3A_162 : i32
    %add3A_164 = arith.constant 80 : i32
    %add3A_165 = arith.addi %mul3A_163, %add3A_164 : i32
    %add3A_166 = vector.broadcast %add3A_165 : i32 to vector<16xi32>
    %add3A_167 = arith.addi %add3A_166, %iota3A : vector<16xi32>
    %shift_right_arithmetic3A_168 = arith.constant 10 : i32
    %shift_right_arithmetic3A_169 = vector.broadcast %shift_right_arithmetic3A_168 : i32 to vector<16xi32>
    %shift_right_arithmetic3A_170 = arith.shrsi %add3A_167, %shift_right_arithmetic3A_169 : vector<16xi32>
    %shift_left3A_171 = arith.constant 18 : i32
    %shift_left3A_172 = vector.broadcast %shift_left3A_171 : i32 to vector<16xi32>
    %shift_left3A_173 = arith.shli %shift_right_arithmetic3A_170, %shift_left3A_172 : vector<16xi32>
    %shift_right_arithmetic3A_174 = arith.constant 5 : i32
    %shift_right_arithmetic3A_175 = vector.broadcast %shift_right_arithmetic3A_174 : i32 to vector<16xi32>
    %shift_right_arithmetic3A_176 = arith.shrsi %add3A_167, %shift_right_arithmetic3A_175 : vector<16xi32>
    %and3A_177 = arith.constant 31 : i32
    %and3A_178 = vector.broadcast %and3A_177 : i32 to vector<16xi32>
    %and3A_179 = arith.andi %shift_right_arithmetic3A_176, %and3A_178 : vector<16xi32>
    %shift_left3A_180 = arith.constant 13 : i32
    %shift_left3A_181 = vector.broadcast %shift_left3A_180 : i32 to vector<16xi32>
    %shift_left3A_182 = arith.shli %and3A_179, %shift_left3A_181 : vector<16xi32>
    %add3A_183 = arith.addi %shift_left3A_173, %shift_left3A_182 : vector<16xi32>
    %and3A_184 = arith.constant 31 : i32
    %and3A_185 = vector.broadcast %and3A_184 : i32 to vector<16xi32>
    %and3A_186 = arith.andi %add3A_167, %and3A_185 : vector<16xi32>
    %shift_left3A_187 = arith.constant 4 : i32
    %shift_left3A_188 = vector.broadcast %shift_left3A_187 : i32 to vector<16xi32>
    %shift_left3A_189 = arith.shli %and3A_186, %shift_left3A_188 : vector<16xi32>
    %add3A_190 = arith.addi %add3A_183, %shift_left3A_189 : vector<16xi32>
    %swap3A_191 = arith.constant 80 : index
    %swap3A_192 = tpu.vector_load %arg4[%swap3A_191] {strides = array<i32>} : memref<128xi32, #tpu.memory_space<vmem>>, vector<16xi32>,
    %swap3A_193 = vector.shape_cast %swap3A_192 : vector<16xi32> to vector<16xi32>
    %swap3A_194 = vector.shape_cast %add3A_190 : vector<16xi32> to vector<16xi32>
    tpu.vector_store %arg4[%swap3A_191], %swap3A_194 {strides = array<i32>} : memref<128xi32, #tpu.memory_space<vmem>>, vector<16xi32>,
    %mul3A_195 = arith.constant 128 : i32
    %mul3A_196 = arith.muli %add3A, %mul3A_195 : i32
    %add3A_197 = arith.constant 96 : i32
    %add3A_198 = arith.addi %mul3A_196, %add3A_197 : i32
    %add3A_199 = vector.broadcast %add3A_198 : i32 to vector<16xi32>
    %add3A_200 = arith.addi %add3A_199, %iota3A : vector<16xi32>
    %shift_right_arithmetic3A_201 = arith.constant 10 : i32
    %shift_right_arithmetic3A_202 = vector.broadcast %shift_right_arithmetic3A_201 : i32 to vector<16xi32>
    %shift_right_arithmetic3A_203 = arith.shrsi %add3A_200, %shift_right_arithmetic3A_202 : vector<16xi32>
    %shift_left3A_204 = arith.constant 18 : i32
    %shift_left3A_205 = vector.broadcast %shift_left3A_204 : i32 to vector<16xi32>
    %shift_left3A_206 = arith.shli %shift_right_arithmetic3A_203, %shift_left3A_205 : vector<16xi32>
    %shift_right_arithmetic3A_207 = arith.constant 5 : i32
    %shift_right_arithmetic3A_208 = vector.broadcast %shift_right_arithmetic3A_207 : i32 to vector<16xi32>
    %shift_right_arithmetic3A_209 = arith.shrsi %add3A_200, %shift_right_arithmetic3A_208 : vector<16xi32>
    %and3A_210 = arith.constant 31 : i32
    %and3A_211 = vector.broadcast %and3A_210 : i32 to vector<16xi32>
    %and3A_212 = arith.andi %shift_right_arithmetic3A_209, %and3A_211 : vector<16xi32>
    %shift_left3A_213 = arith.constant 13 : i32
    %shift_left3A_214 = vector.broadcast %shift_left3A_213 : i32 to vector<16xi32>
    %shift_left3A_215 = arith.shli %and3A_212, %shift_left3A_214 : vector<16xi32>
    %add3A_216 = arith.addi %shift_left3A_206, %shift_left3A_215 : vector<16xi32>
    %and3A_217 = arith.constant 31 : i32
    %and3A_218 = vector.broadcast %and3A_217 : i32 to vector<16xi32>
    %and3A_219 = arith.andi %add3A_200, %and3A_218 : vector<16xi32>
    %shift_left3A_220 = arith.constant 4 : i32
    %shift_left3A_221 = vector.broadcast %shift_left3A_220 : i32 to vector<16xi32>
    %shift_left3A_222 = arith.shli %and3A_219, %shift_left3A_221 : vector<16xi32>
    %add3A_223 = arith.addi %add3A_216, %shift_left3A_222 : vector<16xi32>
    %swap3A_224 = arith.constant 96 : index
    %swap3A_225 = tpu.vector_load %arg4[%swap3A_224] {strides = array<i32>} : memref<128xi32, #tpu.memory_space<vmem>>, vector<16xi32>,
    %swap3A_226 = vector.shape_cast %swap3A_225 : vector<16xi32> to vector<16xi32>
    %swap3A_227 = vector.shape_cast %add3A_223 : vector<16xi32> to vector<16xi32>
    tpu.vector_store %arg4[%swap3A_224], %swap3A_227 {strides = array<i32>} : memref<128xi32, #tpu.memory_space<vmem>>, vector<16xi32>,
    %mul3A_228 = arith.constant 128 : i32
    %mul3A_229 = arith.muli %add3A, %mul3A_228 : i32
    %add3A_230 = arith.constant 112 : i32
    %add3A_231 = arith.addi %mul3A_229, %add3A_230 : i32
    %add3A_232 = vector.broadcast %add3A_231 : i32 to vector<16xi32>
    %add3A_233 = arith.addi %add3A_232, %iota3A : vector<16xi32>
    %shift_right_arithmetic3A_234 = arith.constant 10 : i32
    %shift_right_arithmetic3A_235 = vector.broadcast %shift_right_arithmetic3A_234 : i32 to vector<16xi32>
    %shift_right_arithmetic3A_236 = arith.shrsi %add3A_233, %shift_right_arithmetic3A_235 : vector<16xi32>
    %shift_left3A_237 = arith.constant 18 : i32
    %shift_left3A_238 = vector.broadcast %shift_left3A_237 : i32 to vector<16xi32>
    %shift_left3A_239 = arith.shli %shift_right_arithmetic3A_236, %shift_left3A_238 : vector<16xi32>
    %shift_right_arithmetic3A_240 = arith.constant 5 : i32
    %shift_right_arithmetic3A_241 = vector.broadcast %shift_right_arithmetic3A_240 : i32 to vector<16xi32>
    %shift_right_arithmetic3A_242 = arith.shrsi %add3A_233, %shift_right_arithmetic3A_241 : vector<16xi32>
    %and3A_243 = arith.constant 31 : i32
    %and3A_244 = vector.broadcast %and3A_243 : i32 to vector<16xi32>
    %and3A_245 = arith.andi %shift_right_arithmetic3A_242, %and3A_244 : vector<16xi32>
    %shift_left3A_246 = arith.constant 13 : i32
    %shift_left3A_247 = vector.broadcast %shift_left3A_246 : i32 to vector<16xi32>
    %shift_left3A_248 = arith.shli %and3A_245, %shift_left3A_247 : vector<16xi32>
    %add3A_249 = arith.addi %shift_left3A_239, %shift_left3A_248 : vector<16xi32>
    %and3A_250 = arith.constant 31 : i32
    %and3A_251 = vector.broadcast %and3A_250 : i32 to vector<16xi32>
    %and3A_252 = arith.andi %add3A_233, %and3A_251 : vector<16xi32>
    %shift_left3A_253 = arith.constant 4 : i32
    %shift_left3A_254 = vector.broadcast %shift_left3A_253 : i32 to vector<16xi32>
    %shift_left3A_255 = arith.shli %and3A_252, %shift_left3A_254 : vector<16xi32>
    %add3A_256 = arith.addi %add3A_249, %shift_left3A_255 : vector<16xi32>
    %swap3A_257 = arith.constant 112 : index
    %swap3A_258 = tpu.vector_load %arg4[%swap3A_257] {strides = array<i32>} : memref<128xi32, #tpu.memory_space<vmem>>, vector<16xi32>,
    %swap3A_259 = vector.shape_cast %swap3A_258 : vector<16xi32> to vector<16xi32>
    %swap3A_260 = vector.shape_cast %add3A_256 : vector<16xi32> to vector<16xi32>
    tpu.vector_store %arg4[%swap3A_257], %swap3A_260 {strides = array<i32>} : memref<128xi32, #tpu.memory_space<vmem>>, vector<16xi32>,
    %dma_start3A = arith.constant 0 : i32
    %dma_start3A_261 = tpu.memref_slice %arg2[%dma_start3A] : memref<1048576xi32, #tpu.memory_space<hbm>> -> memref<1048576xi32, #tpu.memory_space<hbm>>
    tpu.enqueue_indirect_dma source(%dma_start3A_261 : memref<1048576xi32, #tpu.memory_space<hbm>>) target(%arg5 : memref<128xi32, #tpu.memory_space<vmem>>) offsets(%arg4 : memref<128xi32, #tpu.memory_space<vmem>>) semaphore(%arg6 : memref<!tpu.dma_semaphore, #tpu.memory_space<semaphore_mem>>)
    %dma_wait3A = arith.constant 0 : i32
    %dma_wait3A_262 = tpu.memref_slice %arg2[%dma_wait3A] : memref<1048576xi32, #tpu.memory_space<hbm>> -> memref<1048576xi32, #tpu.memory_space<hbm>>
    tpu.wait_indirect_dma semaphore(%arg6 : memref<!tpu.dma_semaphore, #tpu.memory_space<semaphore_mem>>) src(%dma_wait3A_262 : memref<1048576xi32, #tpu.memory_space<hbm>>) dst(%arg5 : memref<128xi32, #tpu.memory_space<vmem>>)
    %mul3A_263 = arith.constant 128 : i32
    %mul3A_264 = arith.muli %add3A, %mul3A_263 : i32
    "tpu.region"() ({
      %run_scoped3A = tpu.sem_alloc : memref<!tpu.dma_semaphore, #tpu.memory_space<semaphore_mem>>
      %dma_start3A_265 = tpu.memref_slice %arg3[%mul3A_264] : memref<4096xi32, #tpu.memory_space<hbm>> -> memref<128xi32, #tpu.memory_space<hbm>>
      %dma_start3A_266 = tpu.memref_slice %arg3[%mul3A_264] : memref<4096xi32, #tpu.memory_space<hbm>> -> memref<128xi32, #tpu.memory_space<hbm>>
      tpu.enqueue_dma source(%arg5 : memref<128xi32, #tpu.memory_space<vmem>>) target(%dma_start3A_266 : memref<128xi32, #tpu.memory_space<hbm>>) target_semaphore(%run_scoped3A : memref<!tpu.dma_semaphore, #tpu.memory_space<semaphore_mem>>)
      %dma_wait3A_267 = tpu.memref_slice %arg3[%mul3A_264] : memref<4096xi32, #tpu.memory_space<hbm>> -> memref<128xi32, #tpu.memory_space<hbm>>
      %dma_wait3A_268 = tpu.memref_slice %arg3[%mul3A_264] : memref<4096xi32, #tpu.memory_space<hbm>> -> memref<128xi32, #tpu.memory_space<hbm>>
      tpu.wait_dma2 semaphore(%run_scoped3A : memref<!tpu.dma_semaphore, #tpu.memory_space<semaphore_mem>>) src(%arg5 : memref<128xi32, #tpu.memory_space<vmem>>) dst(%dma_wait3A_268 : memref<128xi32, #tpu.memory_space<hbm>>)
      tpu.yield
    }) : () -> ()
    return
  }
}

module attributes {stable_mosaic.version = 14 : i64} {
  func.func @_loss_kernel(%arg0: memref<4x1024xi32, #tpu.memory_space<vmem>>, %arg1: memref<4x256x1024xf32, #tpu.memory_space<vmem>>, %arg2: memref<21x256xf32, #tpu.memory_space<vmem>>, %arg3: memref<1x1xf32, #tpu.memory_space<vmem>>) attributes {dimension_semantics = [], scalar_prefetch = 0 : i64, scratch_operands = 0 : i64, tpu.core_type = #tpu.core_type<tc>} {
    %get3A = arith.constant 0 : index
    %get3A_0 = arith.constant 0 : index
    %get3A_1 = vector.load %arg0[%get3A, %get3A_0] : memref<4x1024xi32, #tpu.memory_space<vmem>>, vector<4x1024xi32>
    %get3A_2 = arith.constant 0 : index
    %get3A_3 = arith.constant 0 : index
    %get3A_4 = arith.constant 0 : index
    %get3A_5 = vector.load %arg1[%get3A_2, %get3A_3, %get3A_4] : memref<4x256x1024xf32, #tpu.memory_space<vmem>>, vector<4x256x1024xf32>
    %get3A_6 = arith.constant 0 : index
    %get3A_7 = arith.constant 0 : index
    %get3A_8 = vector.load %arg2[%get3A_6, %get3A_7] : memref<21x256xf32, #tpu.memory_space<vmem>>, vector<21x256xf32>
    %iota3A = tpu.iota {dimensions = array<i32: 2>} : vector<4x1024x32xi32>
    %broadcast_in_dim3A = vector.shape_cast %get3A_1 : vector<4x1024xi32> to vector<4x1024x1xi32>
    %eq3A = vector.broadcast %broadcast_in_dim3A : vector<4x1024x1xi32> to vector<4x1024x32xi32>
    %eq3A_9 = arith.cmpi eq, %eq3A, %iota3A : vector<4x1024x32xi32>
    %convert_element_type3A = arith.extui %eq3A_9 : vector<4x1024x32xi1> to vector<4x1024x32xi32>
    %convert_element_type3A_10 = arith.sitofp %convert_element_type3A : vector<4x1024x32xi32> to vector<4x1024x32xf32>
    %reduce_sum3A = arith.constant dense<0.000000e+00> : vector<4x32xf32>
    %reduce_sum3A_11 = vector.multi_reduction <add>, %convert_element_type3A_10, %reduce_sum3A [1] : vector<4x1024x32xf32> to vector<4x32xf32>
    %iota3A_12 = tpu.iota {dimensions = array<i32: 0>} : vector<1024x1024xi32>
    %iota3A_13 = tpu.iota {dimensions = array<i32: 1>} : vector<1024x1024xi32>
    %lt3A = arith.cmpi slt, %iota3A_13, %iota3A_12 : vector<1024x1024xi32>
    %convert_element_type3A_14 = arith.extui %lt3A : vector<1024x1024xi1> to vector<1024x1024xi32>
    %convert_element_type3A_15 = arith.sitofp %convert_element_type3A_14 : vector<1024x1024xi32> to vector<1024x1024xf32>
    %iota3A_16 = tpu.iota {dimensions = array<i32: 0>} : vector<32x1xi32>
    %slice3A = vector.extract_strided_slice %get3A_1 {offsets = [0, 0], sizes = [1, 1024], strides = [1, 1]} : vector<4x1024xi32> to vector<1x1024xi32>
    %eq3A_17 = vector.broadcast %slice3A : vector<1x1024xi32> to vector<32x1024xi32>
    %eq3A_18 = vector.broadcast %iota3A_16 : vector<32x1xi32> to vector<32x1024xi32>
    %eq3A_19 = arith.cmpi eq, %eq3A_17, %eq3A_18 : vector<32x1024xi32>
    %convert_element_type3A_20 = arith.extui %eq3A_19 : vector<32x1024xi1> to vector<32x1024xi32>
    %convert_element_type3A_21 = arith.sitofp %convert_element_type3A_20 : vector<32x1024xi32> to vector<32x1024xf32>
    %dot_general3A = arith.constant dense<0.000000e+00> : vector<32x1024xf32>
    %dot_general3A_22 = tpu.matmul %convert_element_type3A_21, %convert_element_type3A_15, %dot_general3A {dimension_numbers = #tpu.dot_dimension_numbers<[1], [1], [0], [0], [0, 0, 1, 0], [], []>, transpose_lhs_hint = false} : vector<32x1024xf32>, vector<1024x1024xf32>, vector<32x1024xf32> -> vector<32x1024xf32>
    %mul3A = arith.mulf %dot_general3A_22, %convert_element_type3A_21 : vector<32x1024xf32>
    %reduce_sum3A_23 = arith.constant dense<0.000000e+00> : vector<1024xf32>
    %reduce_sum3A_24 = vector.multi_reduction <add>, %mul3A, %reduce_sum3A_23 [0] : vector<32x1024xf32> to vector<1024xf32>
    %broadcast_in_dim3A_25 = vector.shape_cast %reduce_sum3A_24 : vector<1024xf32> to vector<1x1024xf32>
    %slice3A_26 = vector.extract_strided_slice %get3A_5 {offsets = [0, 0, 0], sizes = [1, 256, 1024], strides = [1, 1, 1]} : vector<4x256x1024xf32> to vector<1x256x1024xf32>
    %squeeze3A = vector.shape_cast %slice3A_26 : vector<1x256x1024xf32> to vector<256x1024xf32>
    %slice3A_27 = vector.extract_strided_slice %convert_element_type3A_10 {offsets = [0, 0, 0], sizes = [1, 1024, 32], strides = [1, 1, 1]} : vector<4x1024x32xf32> to vector<1x1024x32xf32>
    %squeeze3A_28 = vector.shape_cast %slice3A_27 : vector<1x1024x32xf32> to vector<1024x32xf32>
    %convert_element_type3A_29 = arith.truncf %squeeze3A : vector<256x1024xf32> to vector<256x1024xbf16>
    %convert_element_type3A_30 = arith.extf %convert_element_type3A_29 : vector<256x1024xbf16> to vector<256x1024xf32>
    %sub3A = arith.subf %squeeze3A, %convert_element_type3A_30 : vector<256x1024xf32>
    %dot_general3A_31 = arith.constant dense<0.000000e+00> : vector<256x32xf32>
    %dot_general3A_32 = tpu.matmul %convert_element_type3A_30, %squeeze3A_28, %dot_general3A_31 {dimension_numbers = #tpu.dot_dimension_numbers<[1], [0], [0], [1], [0, 0, 1, 1], [], []>, transpose_lhs_hint = false} : vector<256x1024xf32>, vector<1024x32xf32>, vector<256x32xf32> -> vector<256x32xf32>
    %dot_general3A_33 = arith.constant dense<0.000000e+00> : vector<256x32xf32>
    %dot_general3A_34 = tpu.matmul %sub3A, %squeeze3A_28, %dot_general3A_33 {dimension_numbers = #tpu.dot_dimension_numbers<[1], [0], [0], [1], [0, 0, 1, 1], [], []>, transpose_lhs_hint = false} : vector<256x1024xf32>, vector<1024x32xf32>, vector<256x32xf32> -> vector<256x32xf32>
    %add3A = arith.addf %dot_general3A_32, %dot_general3A_34 : vector<256x32xf32>
    %broadcast_in_dim3A_35 = vector.shape_cast %add3A : vector<256x32xf32> to vector<1x256x32xf32>
    %slice3A_36 = vector.extract_strided_slice %get3A_1 {offsets = [1, 0], sizes = [1, 1024], strides = [1, 1]} : vector<4x1024xi32> to vector<1x1024xi32>
    %eq3A_37 = vector.broadcast %slice3A_36 : vector<1x1024xi32> to vector<32x1024xi32>
    %eq3A_38 = vector.broadcast %iota3A_16 : vector<32x1xi32> to vector<32x1024xi32>
    %eq3A_39 = arith.cmpi eq, %eq3A_37, %eq3A_38 : vector<32x1024xi32>
    %convert_element_type3A_40 = arith.extui %eq3A_39 : vector<32x1024xi1> to vector<32x1024xi32>
    %convert_element_type3A_41 = arith.sitofp %convert_element_type3A_40 : vector<32x1024xi32> to vector<32x1024xf32>
    %dot_general3A_42 = arith.constant dense<0.000000e+00> : vector<32x1024xf32>
    %dot_general3A_43 = tpu.matmul %convert_element_type3A_41, %convert_element_type3A_15, %dot_general3A_42 {dimension_numbers = #tpu.dot_dimension_numbers<[1], [1], [0], [0], [0, 0, 1, 0], [], []>, transpose_lhs_hint = false} : vector<32x1024xf32>, vector<1024x1024xf32>, vector<32x1024xf32> -> vector<32x1024xf32>
    %mul3A_44 = arith.mulf %dot_general3A_43, %convert_element_type3A_41 : vector<32x1024xf32>
    %reduce_sum3A_45 = arith.constant dense<0.000000e+00> : vector<1024xf32>
    %reduce_sum3A_46 = vector.multi_reduction <add>, %mul3A_44, %reduce_sum3A_45 [0] : vector<32x1024xf32> to vector<1024xf32>
    %broadcast_in_dim3A_47 = vector.shape_cast %reduce_sum3A_46 : vector<1024xf32> to vector<1x1024xf32>
    %slice3A_48 = vector.extract_strided_slice %get3A_5 {offsets = [1, 0, 0], sizes = [1, 256, 1024], strides = [1, 1, 1]} : vector<4x256x1024xf32> to vector<1x256x1024xf32>
    %squeeze3A_49 = vector.shape_cast %slice3A_48 : vector<1x256x1024xf32> to vector<256x1024xf32>
    %slice3A_50 = vector.extract_strided_slice %convert_element_type3A_10 {offsets = [1, 0, 0], sizes = [1, 1024, 32], strides = [1, 1, 1]} : vector<4x1024x32xf32> to vector<1x1024x32xf32>
    %squeeze3A_51 = vector.shape_cast %slice3A_50 : vector<1x1024x32xf32> to vector<1024x32xf32>
    %convert_element_type3A_52 = arith.truncf %squeeze3A_49 : vector<256x1024xf32> to vector<256x1024xbf16>
    %convert_element_type3A_53 = arith.extf %convert_element_type3A_52 : vector<256x1024xbf16> to vector<256x1024xf32>
    %sub3A_54 = arith.subf %squeeze3A_49, %convert_element_type3A_53 : vector<256x1024xf32>
    %dot_general3A_55 = arith.constant dense<0.000000e+00> : vector<256x32xf32>
    %dot_general3A_56 = tpu.matmul %convert_element_type3A_53, %squeeze3A_51, %dot_general3A_55 {dimension_numbers = #tpu.dot_dimension_numbers<[1], [0], [0], [1], [0, 0, 1, 1], [], []>, transpose_lhs_hint = false} : vector<256x1024xf32>, vector<1024x32xf32>, vector<256x32xf32> -> vector<256x32xf32>
    %dot_general3A_57 = arith.constant dense<0.000000e+00> : vector<256x32xf32>
    %dot_general3A_58 = tpu.matmul %sub3A_54, %squeeze3A_51, %dot_general3A_57 {dimension_numbers = #tpu.dot_dimension_numbers<[1], [0], [0], [1], [0, 0, 1, 1], [], []>, transpose_lhs_hint = false} : vector<256x1024xf32>, vector<1024x32xf32>, vector<256x32xf32> -> vector<256x32xf32>
    %add3A_59 = arith.addf %dot_general3A_56, %dot_general3A_58 : vector<256x32xf32>
    %broadcast_in_dim3A_60 = vector.shape_cast %add3A_59 : vector<256x32xf32> to vector<1x256x32xf32>
    %slice3A_61 = vector.extract_strided_slice %get3A_1 {offsets = [2, 0], sizes = [1, 1024], strides = [1, 1]} : vector<4x1024xi32> to vector<1x1024xi32>
    %eq3A_62 = vector.broadcast %slice3A_61 : vector<1x1024xi32> to vector<32x1024xi32>
    %eq3A_63 = vector.broadcast %iota3A_16 : vector<32x1xi32> to vector<32x1024xi32>
    %eq3A_64 = arith.cmpi eq, %eq3A_62, %eq3A_63 : vector<32x1024xi32>
    %convert_element_type3A_65 = arith.extui %eq3A_64 : vector<32x1024xi1> to vector<32x1024xi32>
    %convert_element_type3A_66 = arith.sitofp %convert_element_type3A_65 : vector<32x1024xi32> to vector<32x1024xf32>
    %dot_general3A_67 = arith.constant dense<0.000000e+00> : vector<32x1024xf32>
    %dot_general3A_68 = tpu.matmul %convert_element_type3A_66, %convert_element_type3A_15, %dot_general3A_67 {dimension_numbers = #tpu.dot_dimension_numbers<[1], [1], [0], [0], [0, 0, 1, 0], [], []>, transpose_lhs_hint = false} : vector<32x1024xf32>, vector<1024x1024xf32>, vector<32x1024xf32> -> vector<32x1024xf32>
    %mul3A_69 = arith.mulf %dot_general3A_68, %convert_element_type3A_66 : vector<32x1024xf32>
    %reduce_sum3A_70 = arith.constant dense<0.000000e+00> : vector<1024xf32>
    %reduce_sum3A_71 = vector.multi_reduction <add>, %mul3A_69, %reduce_sum3A_70 [0] : vector<32x1024xf32> to vector<1024xf32>
    %broadcast_in_dim3A_72 = vector.shape_cast %reduce_sum3A_71 : vector<1024xf32> to vector<1x1024xf32>
    %slice3A_73 = vector.extract_strided_slice %get3A_5 {offsets = [2, 0, 0], sizes = [1, 256, 1024], strides = [1, 1, 1]} : vector<4x256x1024xf32> to vector<1x256x1024xf32>
    %squeeze3A_74 = vector.shape_cast %slice3A_73 : vector<1x256x1024xf32> to vector<256x1024xf32>
    %slice3A_75 = vector.extract_strided_slice %convert_element_type3A_10 {offsets = [2, 0, 0], sizes = [1, 1024, 32], strides = [1, 1, 1]} : vector<4x1024x32xf32> to vector<1x1024x32xf32>
    %squeeze3A_76 = vector.shape_cast %slice3A_75 : vector<1x1024x32xf32> to vector<1024x32xf32>
    %convert_element_type3A_77 = arith.truncf %squeeze3A_74 : vector<256x1024xf32> to vector<256x1024xbf16>
    %convert_element_type3A_78 = arith.extf %convert_element_type3A_77 : vector<256x1024xbf16> to vector<256x1024xf32>
    %sub3A_79 = arith.subf %squeeze3A_74, %convert_element_type3A_78 : vector<256x1024xf32>
    %dot_general3A_80 = arith.constant dense<0.000000e+00> : vector<256x32xf32>
    %dot_general3A_81 = tpu.matmul %convert_element_type3A_78, %squeeze3A_76, %dot_general3A_80 {dimension_numbers = #tpu.dot_dimension_numbers<[1], [0], [0], [1], [0, 0, 1, 1], [], []>, transpose_lhs_hint = false} : vector<256x1024xf32>, vector<1024x32xf32>, vector<256x32xf32> -> vector<256x32xf32>
    %dot_general3A_82 = arith.constant dense<0.000000e+00> : vector<256x32xf32>
    %dot_general3A_83 = tpu.matmul %sub3A_79, %squeeze3A_76, %dot_general3A_82 {dimension_numbers = #tpu.dot_dimension_numbers<[1], [0], [0], [1], [0, 0, 1, 1], [], []>, transpose_lhs_hint = false} : vector<256x1024xf32>, vector<1024x32xf32>, vector<256x32xf32> -> vector<256x32xf32>
    %add3A_84 = arith.addf %dot_general3A_81, %dot_general3A_83 : vector<256x32xf32>
    %broadcast_in_dim3A_85 = vector.shape_cast %add3A_84 : vector<256x32xf32> to vector<1x256x32xf32>
    %slice3A_86 = vector.extract_strided_slice %get3A_1 {offsets = [3, 0], sizes = [1, 1024], strides = [1, 1]} : vector<4x1024xi32> to vector<1x1024xi32>
    %eq3A_87 = vector.broadcast %slice3A_86 : vector<1x1024xi32> to vector<32x1024xi32>
    %eq3A_88 = vector.broadcast %iota3A_16 : vector<32x1xi32> to vector<32x1024xi32>
    %eq3A_89 = arith.cmpi eq, %eq3A_87, %eq3A_88 : vector<32x1024xi32>
    %convert_element_type3A_90 = arith.extui %eq3A_89 : vector<32x1024xi1> to vector<32x1024xi32>
    %convert_element_type3A_91 = arith.sitofp %convert_element_type3A_90 : vector<32x1024xi32> to vector<32x1024xf32>
    %dot_general3A_92 = arith.constant dense<0.000000e+00> : vector<32x1024xf32>
    %dot_general3A_93 = tpu.matmul %convert_element_type3A_91, %convert_element_type3A_15, %dot_general3A_92 {dimension_numbers = #tpu.dot_dimension_numbers<[1], [1], [0], [0], [0, 0, 1, 0], [], []>, transpose_lhs_hint = false} : vector<32x1024xf32>, vector<1024x1024xf32>, vector<32x1024xf32> -> vector<32x1024xf32>
    %mul3A_94 = arith.mulf %dot_general3A_93, %convert_element_type3A_91 : vector<32x1024xf32>
    %reduce_sum3A_95 = arith.constant dense<0.000000e+00> : vector<1024xf32>
    %reduce_sum3A_96 = vector.multi_reduction <add>, %mul3A_94, %reduce_sum3A_95 [0] : vector<32x1024xf32> to vector<1024xf32>
    %broadcast_in_dim3A_97 = vector.shape_cast %reduce_sum3A_96 : vector<1024xf32> to vector<1x1024xf32>
    %slice3A_98 = vector.extract_strided_slice %get3A_5 {offsets = [3, 0, 0], sizes = [1, 256, 1024], strides = [1, 1, 1]} : vector<4x256x1024xf32> to vector<1x256x1024xf32>
    %squeeze3A_99 = vector.shape_cast %slice3A_98 : vector<1x256x1024xf32> to vector<256x1024xf32>
    %slice3A_100 = vector.extract_strided_slice %convert_element_type3A_10 {offsets = [3, 0, 0], sizes = [1, 1024, 32], strides = [1, 1, 1]} : vector<4x1024x32xf32> to vector<1x1024x32xf32>
    %squeeze3A_101 = vector.shape_cast %slice3A_100 : vector<1x1024x32xf32> to vector<1024x32xf32>
    %convert_element_type3A_102 = arith.truncf %squeeze3A_99 : vector<256x1024xf32> to vector<256x1024xbf16>
    %convert_element_type3A_103 = arith.extf %convert_element_type3A_102 : vector<256x1024xbf16> to vector<256x1024xf32>
    %sub3A_104 = arith.subf %squeeze3A_99, %convert_element_type3A_103 : vector<256x1024xf32>
    %dot_general3A_105 = arith.constant dense<0.000000e+00> : vector<256x32xf32>
    %dot_general3A_106 = tpu.matmul %convert_element_type3A_103, %squeeze3A_101, %dot_general3A_105 {dimension_numbers = #tpu.dot_dimension_numbers<[1], [0], [0], [1], [0, 0, 1, 1], [], []>, transpose_lhs_hint = false} : vector<256x1024xf32>, vector<1024x32xf32>, vector<256x32xf32> -> vector<256x32xf32>
    %dot_general3A_107 = arith.constant dense<0.000000e+00> : vector<256x32xf32>
    %dot_general3A_108 = tpu.matmul %sub3A_104, %squeeze3A_101, %dot_general3A_107 {dimension_numbers = #tpu.dot_dimension_numbers<[1], [0], [0], [1], [0, 0, 1, 1], [], []>, transpose_lhs_hint = false} : vector<256x1024xf32>, vector<1024x32xf32>, vector<256x32xf32> -> vector<256x32xf32>
    %add3A_109 = arith.addf %dot_general3A_106, %dot_general3A_108 : vector<256x32xf32>
    %broadcast_in_dim3A_110 = vector.shape_cast %add3A_109 : vector<256x32xf32> to vector<1x256x32xf32>
    %concatenate3A = tpu.concatenate %broadcast_in_dim3A_25, %broadcast_in_dim3A_47, %broadcast_in_dim3A_72, %broadcast_in_dim3A_97 in 0 : vector<1x1024xf32>, vector<1x1024xf32>, vector<1x1024xf32>, vector<1x1024xf32> -> vector<4x1024xf32>
    %concatenate3A_111 = tpu.concatenate %broadcast_in_dim3A_35, %broadcast_in_dim3A_60, %broadcast_in_dim3A_85, %broadcast_in_dim3A_110 in 0 : vector<1x256x32xf32>, vector<1x256x32xf32>, vector<1x256x32xf32>, vector<1x256x32xf32> -> vector<4x256x32xf32>
    %mul3A_112 = arith.mulf %get3A_5, %get3A_5 : vector<4x256x1024xf32>
    %reduce_sum3A_113 = arith.constant dense<0.000000e+00> : vector<4x1024xf32>
    %reduce_sum3A_114 = vector.multi_reduction <add>, %mul3A_112, %reduce_sum3A_113 [1] : vector<4x256x1024xf32> to vector<4x1024xf32>
    %broadcast_in_dim3A_115 = vector.shape_cast %reduce_sum3A_114 : vector<4x1024xf32> to vector<4x1024x1xf32>
    %mul3A_116 = vector.broadcast %broadcast_in_dim3A_115 : vector<4x1024x1xf32> to vector<4x1024x32xf32>
    %mul3A_117 = arith.mulf %mul3A_116, %convert_element_type3A_10 : vector<4x1024x32xf32>
    %reduce_sum3A_118 = arith.constant dense<0.000000e+00> : vector<4x32xf32>
    %reduce_sum3A_119 = vector.multi_reduction <add>, %mul3A_117, %reduce_sum3A_118 [1] : vector<4x1024x32xf32> to vector<4x32xf32>
    %reduce_sum3A_120 = arith.constant dense<0.000000e+00> : vector<32xf32>
    %reduce_sum3A_121 = vector.multi_reduction <add>, %reduce_sum3A_119, %reduce_sum3A_120 [0] : vector<4x32xf32> to vector<32xf32>
    %broadcast_in_dim3A_122 = vector.shape_cast %reduce_sum3A_121 : vector<32xf32> to vector<1x32xf32>
    %slice3A_123 = vector.extract_strided_slice %reduce_sum3A_11 {offsets = [0, 0], sizes = [1, 32], strides = [1, 1]} : vector<4x32xf32> to vector<1x32xf32>
    %slice3A_124 = vector.extract_strided_slice %reduce_sum3A_11 {offsets = [1, 0], sizes = [1, 32], strides = [1, 1]} : vector<4x32xf32> to vector<1x32xf32>
    %slice3A_125 = vector.extract_strided_slice %reduce_sum3A_11 {offsets = [2, 0], sizes = [1, 32], strides = [1, 1]} : vector<4x32xf32> to vector<1x32xf32>
    %slice3A_126 = vector.extract_strided_slice %reduce_sum3A_11 {offsets = [3, 0], sizes = [1, 32], strides = [1, 1]} : vector<4x32xf32> to vector<1x32xf32>
    %broadcast_in_dim3A_127 = arith.constant 0.000000e+00 : f32
    %broadcast_in_dim3A_128 = vector.broadcast %broadcast_in_dim3A_127 : f32 to vector<1x32xf32>
    %add3A_129 = arith.addf %slice3A_123, %slice3A_124 : vector<1x32xf32>
    %add3A_130 = arith.addf %slice3A_123, %slice3A_124 : vector<1x32xf32>
    %add3A_131 = arith.addf %add3A_130, %slice3A_125 : vector<1x32xf32>
    %concatenate3A_132 = tpu.concatenate %broadcast_in_dim3A_128, %slice3A_123, %add3A_129, %add3A_131 in 0 : vector<1x32xf32>, vector<1x32xf32>, vector<1x32xf32>, vector<1x32xf32> -> vector<4x32xf32>
    %add3A_133 = arith.addf %slice3A_123, %slice3A_124 : vector<1x32xf32>
    %add3A_134 = arith.addf %add3A_133, %slice3A_125 : vector<1x32xf32>
    %add3A_135 = arith.addf %add3A_134, %slice3A_126 : vector<1x32xf32>
    %max3A = arith.constant 1.000000e+00 : f32
    %max3A_136 = vector.broadcast %max3A : f32 to vector<1x32xf32>
    %max3A_137 = arith.maximumf %add3A_135, %max3A_136 : vector<1x32xf32>
    %iota3A_138 = tpu.iota {dimensions = array<i32: 0>} : vector<256x1xi32>
    %convert_element_type3A_139 = arith.sitofp %iota3A_138 : vector<256x1xi32> to vector<256x1xf32>
    %slice3A_140 = vector.extract_strided_slice %reduce_sum3A_11 {offsets = [0, 0], sizes = [1, 32], strides = [1, 1]} : vector<4x32xf32> to vector<1x32xf32>
    %slice3A_141 = vector.extract_strided_slice %concatenate3A_132 {offsets = [0, 0], sizes = [1, 32], strides = [1, 1]} : vector<4x32xf32> to vector<1x32xf32>
    %mul3A_142 = arith.constant 2.560000e+02 : f32
    %mul3A_143 = vector.broadcast %mul3A_142 : f32 to vector<1x32xf32>
    %mul3A_144 = arith.mulf %mul3A_143, %slice3A_141 : vector<1x32xf32>
    %mul3A_145 = vector.broadcast %convert_element_type3A_139 : vector<256x1xf32> to vector<256x32xf32>
    %mul3A_146 = vector.broadcast %slice3A_140 : vector<1x32xf32> to vector<256x32xf32>
    %mul3A_147 = arith.mulf %mul3A_145, %mul3A_146 : vector<256x32xf32>
    %add3A_148 = vector.broadcast %mul3A_144 : vector<1x32xf32> to vector<256x32xf32>
    %add3A_149 = arith.addf %add3A_148, %mul3A_147 : vector<256x32xf32>
    %div3A = vector.broadcast %max3A_137 : vector<1x32xf32> to vector<256x32xf32>
    %div3A_150 = arith.divf %add3A_149, %div3A : vector<256x32xf32>
    %floor3A = math.floor %div3A_150 : vector<256x32xf32>
    %add3A_151 = arith.constant 1.000000e+00 : f32
    %add3A_152 = vector.broadcast %add3A_151 : f32 to vector<256x32xf32>
    %add3A_153 = arith.addf %floor3A, %add3A_152 : vector<256x32xf32>
    %mul3A_154 = vector.broadcast %max3A_137 : vector<1x32xf32> to vector<256x32xf32>
    %mul3A_155 = arith.mulf %add3A_153, %mul3A_154 : vector<256x32xf32>
    %le3A = arith.cmpf ole, %mul3A_155, %add3A_149 : vector<256x32xf32>
    %convert_element_type3A_156 = arith.extui %le3A : vector<256x32xi1> to vector<256x32xi32>
    %convert_element_type3A_157 = arith.sitofp %convert_element_type3A_156 : vector<256x32xi32> to vector<256x32xf32>
    %add3A_158 = arith.addf %floor3A, %convert_element_type3A_157 : vector<256x32xf32>
    %mul3A_159 = vector.broadcast %max3A_137 : vector<1x32xf32> to vector<256x32xf32>
    %mul3A_160 = arith.mulf %add3A_158, %mul3A_159 : vector<256x32xf32>
    %gt3A = arith.cmpf ogt, %mul3A_160, %add3A_149 : vector<256x32xf32>
    %convert_element_type3A_161 = arith.extui %gt3A : vector<256x32xi1> to vector<256x32xi32>
    %convert_element_type3A_162 = arith.sitofp %convert_element_type3A_161 : vector<256x32xi32> to vector<256x32xf32>
    %sub3A_163 = arith.subf %add3A_158, %convert_element_type3A_162 : vector<256x32xf32>
    %add3A_164 = arith.constant 1.000000e+00 : f32
    %add3A_165 = vector.broadcast %add3A_164 : f32 to vector<256x32xf32>
    %add3A_166 = arith.addf %sub3A_163, %add3A_165 : vector<256x32xf32>
    %mul3A_167 = vector.broadcast %max3A_137 : vector<1x32xf32> to vector<256x32xf32>
    %mul3A_168 = arith.mulf %add3A_166, %mul3A_167 : vector<256x32xf32>
    %sub3A_169 = arith.subf %mul3A_168, %add3A_149 : vector<256x32xf32>
    %min3A = vector.broadcast %slice3A_140 : vector<1x32xf32> to vector<256x32xf32>
    %min3A_170 = arith.minimumf %sub3A_169, %min3A : vector<256x32xf32>
    %convert_element_type3A_171 = arith.truncf %min3A_170 : vector<256x32xf32> to vector<256x32xbf16>
    %convert_element_type3A_172 = arith.extf %convert_element_type3A_171 : vector<256x32xbf16> to vector<256x32xf32>
    %sub3A_173 = arith.subf %min3A_170, %convert_element_type3A_172 : vector<256x32xf32>
    %dot_general3A_174 = arith.constant dense<0.000000e+00> : vector<256x1024xf32>
    %dot_general3A_175 = tpu.matmul %convert_element_type3A_172, %convert_element_type3A_21, %dot_general3A_174 {dimension_numbers = #tpu.dot_dimension_numbers<[1], [0], [0], [1], [0, 0, 1, 1], [], []>, transpose_lhs_hint = false} : vector<256x32xf32>, vector<32x1024xf32>, vector<256x1024xf32> -> vector<256x1024xf32>
    %dot_general3A_176 = arith.constant dense<0.000000e+00> : vector<256x1024xf32>
    %dot_general3A_177 = tpu.matmul %sub3A_173, %convert_element_type3A_21, %dot_general3A_176 {dimension_numbers = #tpu.dot_dimension_numbers<[1], [0], [0], [1], [0, 0, 1, 1], [], []>, transpose_lhs_hint = false} : vector<256x32xf32>, vector<32x1024xf32>, vector<256x1024xf32> -> vector<256x1024xf32>
    %add3A_178 = arith.addf %dot_general3A_175, %dot_general3A_177 : vector<256x1024xf32>
    %slice3A_179 = vector.extract_strided_slice %concatenate3A {offsets = [0, 0], sizes = [1, 1024], strides = [1, 1]} : vector<4x1024xf32> to vector<1x1024xf32>
    %lt3A_180 = vector.broadcast %slice3A_179 : vector<1x1024xf32> to vector<256x1024xf32>
    %lt3A_181 = arith.cmpf olt, %lt3A_180, %add3A_178 : vector<256x1024xf32>
    %slice3A_182 = vector.extract_strided_slice %get3A_5 {offsets = [0, 0, 0], sizes = [1, 256, 1024], strides = [1, 1, 1]} : vector<4x256x1024xf32> to vector<1x256x1024xf32>
    %squeeze3A_183 = vector.shape_cast %slice3A_182 : vector<1x256x1024xf32> to vector<256x1024xf32>
    %jit3A = arith.constant 0.000000e+00 : f32
    %broadcast_in_dim3A_184 = vector.broadcast %jit3A : f32 to vector<256x1024xf32>
    %select_n3A = arith.select %lt3A_181, %squeeze3A_183, %broadcast_in_dim3A_184 : vector<256x1024xi1>, vector<256x1024xf32>
    %slice3A_185 = vector.extract_strided_slice %convert_element_type3A_10 {offsets = [0, 0, 0], sizes = [1, 1024, 32], strides = [1, 1, 1]} : vector<4x1024x32xf32> to vector<1x1024x32xf32>
    %squeeze3A_186 = vector.shape_cast %slice3A_185 : vector<1x1024x32xf32> to vector<1024x32xf32>
    %convert_element_type3A_187 = arith.truncf %select_n3A : vector<256x1024xf32> to vector<256x1024xbf16>
    %convert_element_type3A_188 = arith.extf %convert_element_type3A_187 : vector<256x1024xbf16> to vector<256x1024xf32>
    %sub3A_189 = arith.subf %select_n3A, %convert_element_type3A_188 : vector<256x1024xf32>
    %dot_general3A_190 = arith.constant dense<0.000000e+00> : vector<256x32xf32>
    %dot_general3A_191 = tpu.matmul %convert_element_type3A_188, %squeeze3A_186, %dot_general3A_190 {dimension_numbers = #tpu.dot_dimension_numbers<[1], [0], [0], [1], [0, 0, 1, 1], [], []>, transpose_lhs_hint = false} : vector<256x1024xf32>, vector<1024x32xf32>, vector<256x32xf32> -> vector<256x32xf32>
    %dot_general3A_192 = arith.constant dense<0.000000e+00> : vector<256x32xf32>
    %dot_general3A_193 = tpu.matmul %sub3A_189, %squeeze3A_186, %dot_general3A_192 {dimension_numbers = #tpu.dot_dimension_numbers<[1], [0], [0], [1], [0, 0, 1, 1], [], []>, transpose_lhs_hint = false} : vector<256x1024xf32>, vector<1024x32xf32>, vector<256x32xf32> -> vector<256x32xf32>
    %add3A_194 = arith.addf %dot_general3A_191, %dot_general3A_193 : vector<256x32xf32>
    %broadcast_in_dim3A_195 = vector.shape_cast %add3A_194 : vector<256x32xf32> to vector<1x256x32xf32>
    %broadcast_in_dim3A_196 = vector.shape_cast %sub3A_163 : vector<256x32xf32> to vector<1x256x32xf32>
    %slice3A_197 = vector.extract_strided_slice %reduce_sum3A_11 {offsets = [1, 0], sizes = [1, 32], strides = [1, 1]} : vector<4x32xf32> to vector<1x32xf32>
    %slice3A_198 = vector.extract_strided_slice %concatenate3A_132 {offsets = [1, 0], sizes = [1, 32], strides = [1, 1]} : vector<4x32xf32> to vector<1x32xf32>
    %mul3A_199 = arith.constant 2.560000e+02 : f32
    %mul3A_200 = vector.broadcast %mul3A_199 : f32 to vector<1x32xf32>
    %mul3A_201 = arith.mulf %mul3A_200, %slice3A_198 : vector<1x32xf32>
    %mul3A_202 = vector.broadcast %convert_element_type3A_139 : vector<256x1xf32> to vector<256x32xf32>
    %mul3A_203 = vector.broadcast %slice3A_197 : vector<1x32xf32> to vector<256x32xf32>
    %mul3A_204 = arith.mulf %mul3A_202, %mul3A_203 : vector<256x32xf32>
    %add3A_205 = vector.broadcast %mul3A_201 : vector<1x32xf32> to vector<256x32xf32>
    %add3A_206 = arith.addf %add3A_205, %mul3A_204 : vector<256x32xf32>
    %div3A_207 = vector.broadcast %max3A_137 : vector<1x32xf32> to vector<256x32xf32>
    %div3A_208 = arith.divf %add3A_206, %div3A_207 : vector<256x32xf32>
    %floor3A_209 = math.floor %div3A_208 : vector<256x32xf32>
    %add3A_210 = arith.constant 1.000000e+00 : f32
    %add3A_211 = vector.broadcast %add3A_210 : f32 to vector<256x32xf32>
    %add3A_212 = arith.addf %floor3A_209, %add3A_211 : vector<256x32xf32>
    %mul3A_213 = vector.broadcast %max3A_137 : vector<1x32xf32> to vector<256x32xf32>
    %mul3A_214 = arith.mulf %add3A_212, %mul3A_213 : vector<256x32xf32>
    %le3A_215 = arith.cmpf ole, %mul3A_214, %add3A_206 : vector<256x32xf32>
    %convert_element_type3A_216 = arith.extui %le3A_215 : vector<256x32xi1> to vector<256x32xi32>
    %convert_element_type3A_217 = arith.sitofp %convert_element_type3A_216 : vector<256x32xi32> to vector<256x32xf32>
    %add3A_218 = arith.addf %floor3A_209, %convert_element_type3A_217 : vector<256x32xf32>
    %mul3A_219 = vector.broadcast %max3A_137 : vector<1x32xf32> to vector<256x32xf32>
    %mul3A_220 = arith.mulf %add3A_218, %mul3A_219 : vector<256x32xf32>
    %gt3A_221 = arith.cmpf ogt, %mul3A_220, %add3A_206 : vector<256x32xf32>
    %convert_element_type3A_222 = arith.extui %gt3A_221 : vector<256x32xi1> to vector<256x32xi32>
    %convert_element_type3A_223 = arith.sitofp %convert_element_type3A_222 : vector<256x32xi32> to vector<256x32xf32>
    %sub3A_224 = arith.subf %add3A_218, %convert_element_type3A_223 : vector<256x32xf32>
    %add3A_225 = arith.constant 1.000000e+00 : f32
    %add3A_226 = vector.broadcast %add3A_225 : f32 to vector<256x32xf32>
    %add3A_227 = arith.addf %sub3A_224, %add3A_226 : vector<256x32xf32>
    %mul3A_228 = vector.broadcast %max3A_137 : vector<1x32xf32> to vector<256x32xf32>
    %mul3A_229 = arith.mulf %add3A_227, %mul3A_228 : vector<256x32xf32>
    %sub3A_230 = arith.subf %mul3A_229, %add3A_206 : vector<256x32xf32>
    %min3A_231 = vector.broadcast %slice3A_197 : vector<1x32xf32> to vector<256x32xf32>
    %min3A_232 = arith.minimumf %sub3A_230, %min3A_231 : vector<256x32xf32>
    %convert_element_type3A_233 = arith.truncf %min3A_232 : vector<256x32xf32> to vector<256x32xbf16>
    %convert_element_type3A_234 = arith.extf %convert_element_type3A_233 : vector<256x32xbf16> to vector<256x32xf32>
    %sub3A_235 = arith.subf %min3A_232, %convert_element_type3A_234 : vector<256x32xf32>
    %dot_general3A_236 = arith.constant dense<0.000000e+00> : vector<256x1024xf32>
    %dot_general3A_237 = tpu.matmul %convert_element_type3A_234, %convert_element_type3A_41, %dot_general3A_236 {dimension_numbers = #tpu.dot_dimension_numbers<[1], [0], [0], [1], [0, 0, 1, 1], [], []>, transpose_lhs_hint = false} : vector<256x32xf32>, vector<32x1024xf32>, vector<256x1024xf32> -> vector<256x1024xf32>
    %dot_general3A_238 = arith.constant dense<0.000000e+00> : vector<256x1024xf32>
    %dot_general3A_239 = tpu.matmul %sub3A_235, %convert_element_type3A_41, %dot_general3A_238 {dimension_numbers = #tpu.dot_dimension_numbers<[1], [0], [0], [1], [0, 0, 1, 1], [], []>, transpose_lhs_hint = false} : vector<256x32xf32>, vector<32x1024xf32>, vector<256x1024xf32> -> vector<256x1024xf32>
    %add3A_240 = arith.addf %dot_general3A_237, %dot_general3A_239 : vector<256x1024xf32>
    %slice3A_241 = vector.extract_strided_slice %concatenate3A {offsets = [1, 0], sizes = [1, 1024], strides = [1, 1]} : vector<4x1024xf32> to vector<1x1024xf32>
    %lt3A_242 = vector.broadcast %slice3A_241 : vector<1x1024xf32> to vector<256x1024xf32>
    %lt3A_243 = arith.cmpf olt, %lt3A_242, %add3A_240 : vector<256x1024xf32>
    %slice3A_244 = vector.extract_strided_slice %get3A_5 {offsets = [1, 0, 0], sizes = [1, 256, 1024], strides = [1, 1, 1]} : vector<4x256x1024xf32> to vector<1x256x1024xf32>
    %squeeze3A_245 = vector.shape_cast %slice3A_244 : vector<1x256x1024xf32> to vector<256x1024xf32>
    %jit3A_246 = arith.constant 0.000000e+00 : f32
    %broadcast_in_dim3A_247 = vector.broadcast %jit3A_246 : f32 to vector<256x1024xf32>
    %select_n3A_248 = arith.select %lt3A_243, %squeeze3A_245, %broadcast_in_dim3A_247 : vector<256x1024xi1>, vector<256x1024xf32>
    %slice3A_249 = vector.extract_strided_slice %convert_element_type3A_10 {offsets = [1, 0, 0], sizes = [1, 1024, 32], strides = [1, 1, 1]} : vector<4x1024x32xf32> to vector<1x1024x32xf32>
    %squeeze3A_250 = vector.shape_cast %slice3A_249 : vector<1x1024x32xf32> to vector<1024x32xf32>
    %convert_element_type3A_251 = arith.truncf %select_n3A_248 : vector<256x1024xf32> to vector<256x1024xbf16>
    %convert_element_type3A_252 = arith.extf %convert_element_type3A_251 : vector<256x1024xbf16> to vector<256x1024xf32>
    %sub3A_253 = arith.subf %select_n3A_248, %convert_element_type3A_252 : vector<256x1024xf32>
    %dot_general3A_254 = arith.constant dense<0.000000e+00> : vector<256x32xf32>
    %dot_general3A_255 = tpu.matmul %convert_element_type3A_252, %squeeze3A_250, %dot_general3A_254 {dimension_numbers = #tpu.dot_dimension_numbers<[1], [0], [0], [1], [0, 0, 1, 1], [], []>, transpose_lhs_hint = false} : vector<256x1024xf32>, vector<1024x32xf32>, vector<256x32xf32> -> vector<256x32xf32>
    %dot_general3A_256 = arith.constant dense<0.000000e+00> : vector<256x32xf32>
    %dot_general3A_257 = tpu.matmul %sub3A_253, %squeeze3A_250, %dot_general3A_256 {dimension_numbers = #tpu.dot_dimension_numbers<[1], [0], [0], [1], [0, 0, 1, 1], [], []>, transpose_lhs_hint = false} : vector<256x1024xf32>, vector<1024x32xf32>, vector<256x32xf32> -> vector<256x32xf32>
    %add3A_258 = arith.addf %dot_general3A_255, %dot_general3A_257 : vector<256x32xf32>
    %broadcast_in_dim3A_259 = vector.shape_cast %add3A_258 : vector<256x32xf32> to vector<1x256x32xf32>
    %broadcast_in_dim3A_260 = vector.shape_cast %sub3A_224 : vector<256x32xf32> to vector<1x256x32xf32>
    %slice3A_261 = vector.extract_strided_slice %reduce_sum3A_11 {offsets = [2, 0], sizes = [1, 32], strides = [1, 1]} : vector<4x32xf32> to vector<1x32xf32>
    %slice3A_262 = vector.extract_strided_slice %concatenate3A_132 {offsets = [2, 0], sizes = [1, 32], strides = [1, 1]} : vector<4x32xf32> to vector<1x32xf32>
    %mul3A_263 = arith.constant 2.560000e+02 : f32
    %mul3A_264 = vector.broadcast %mul3A_263 : f32 to vector<1x32xf32>
    %mul3A_265 = arith.mulf %mul3A_264, %slice3A_262 : vector<1x32xf32>
    %mul3A_266 = vector.broadcast %convert_element_type3A_139 : vector<256x1xf32> to vector<256x32xf32>
    %mul3A_267 = vector.broadcast %slice3A_261 : vector<1x32xf32> to vector<256x32xf32>
    %mul3A_268 = arith.mulf %mul3A_266, %mul3A_267 : vector<256x32xf32>
    %add3A_269 = vector.broadcast %mul3A_265 : vector<1x32xf32> to vector<256x32xf32>
    %add3A_270 = arith.addf %add3A_269, %mul3A_268 : vector<256x32xf32>
    %div3A_271 = vector.broadcast %max3A_137 : vector<1x32xf32> to vector<256x32xf32>
    %div3A_272 = arith.divf %add3A_270, %div3A_271 : vector<256x32xf32>
    %floor3A_273 = math.floor %div3A_272 : vector<256x32xf32>
    %add3A_274 = arith.constant 1.000000e+00 : f32
    %add3A_275 = vector.broadcast %add3A_274 : f32 to vector<256x32xf32>
    %add3A_276 = arith.addf %floor3A_273, %add3A_275 : vector<256x32xf32>
    %mul3A_277 = vector.broadcast %max3A_137 : vector<1x32xf32> to vector<256x32xf32>
    %mul3A_278 = arith.mulf %add3A_276, %mul3A_277 : vector<256x32xf32>
    %le3A_279 = arith.cmpf ole, %mul3A_278, %add3A_270 : vector<256x32xf32>
    %convert_element_type3A_280 = arith.extui %le3A_279 : vector<256x32xi1> to vector<256x32xi32>
    %convert_element_type3A_281 = arith.sitofp %convert_element_type3A_280 : vector<256x32xi32> to vector<256x32xf32>
    %add3A_282 = arith.addf %floor3A_273, %convert_element_type3A_281 : vector<256x32xf32>
    %mul3A_283 = vector.broadcast %max3A_137 : vector<1x32xf32> to vector<256x32xf32>
    %mul3A_284 = arith.mulf %add3A_282, %mul3A_283 : vector<256x32xf32>
    %gt3A_285 = arith.cmpf ogt, %mul3A_284, %add3A_270 : vector<256x32xf32>
    %convert_element_type3A_286 = arith.extui %gt3A_285 : vector<256x32xi1> to vector<256x32xi32>
    %convert_element_type3A_287 = arith.sitofp %convert_element_type3A_286 : vector<256x32xi32> to vector<256x32xf32>
    %sub3A_288 = arith.subf %add3A_282, %convert_element_type3A_287 : vector<256x32xf32>
    %add3A_289 = arith.constant 1.000000e+00 : f32
    %add3A_290 = vector.broadcast %add3A_289 : f32 to vector<256x32xf32>
    %add3A_291 = arith.addf %sub3A_288, %add3A_290 : vector<256x32xf32>
    %mul3A_292 = vector.broadcast %max3A_137 : vector<1x32xf32> to vector<256x32xf32>
    %mul3A_293 = arith.mulf %add3A_291, %mul3A_292 : vector<256x32xf32>
    %sub3A_294 = arith.subf %mul3A_293, %add3A_270 : vector<256x32xf32>
    %min3A_295 = vector.broadcast %slice3A_261 : vector<1x32xf32> to vector<256x32xf32>
    %min3A_296 = arith.minimumf %sub3A_294, %min3A_295 : vector<256x32xf32>
    %convert_element_type3A_297 = arith.truncf %min3A_296 : vector<256x32xf32> to vector<256x32xbf16>
    %convert_element_type3A_298 = arith.extf %convert_element_type3A_297 : vector<256x32xbf16> to vector<256x32xf32>
    %sub3A_299 = arith.subf %min3A_296, %convert_element_type3A_298 : vector<256x32xf32>
    %dot_general3A_300 = arith.constant dense<0.000000e+00> : vector<256x1024xf32>
    %dot_general3A_301 = tpu.matmul %convert_element_type3A_298, %convert_element_type3A_66, %dot_general3A_300 {dimension_numbers = #tpu.dot_dimension_numbers<[1], [0], [0], [1], [0, 0, 1, 1], [], []>, transpose_lhs_hint = false} : vector<256x32xf32>, vector<32x1024xf32>, vector<256x1024xf32> -> vector<256x1024xf32>
    %dot_general3A_302 = arith.constant dense<0.000000e+00> : vector<256x1024xf32>
    %dot_general3A_303 = tpu.matmul %sub3A_299, %convert_element_type3A_66, %dot_general3A_302 {dimension_numbers = #tpu.dot_dimension_numbers<[1], [0], [0], [1], [0, 0, 1, 1], [], []>, transpose_lhs_hint = false} : vector<256x32xf32>, vector<32x1024xf32>, vector<256x1024xf32> -> vector<256x1024xf32>
    %add3A_304 = arith.addf %dot_general3A_301, %dot_general3A_303 : vector<256x1024xf32>
    %slice3A_305 = vector.extract_strided_slice %concatenate3A {offsets = [2, 0], sizes = [1, 1024], strides = [1, 1]} : vector<4x1024xf32> to vector<1x1024xf32>
    %lt3A_306 = vector.broadcast %slice3A_305 : vector<1x1024xf32> to vector<256x1024xf32>
    %lt3A_307 = arith.cmpf olt, %lt3A_306, %add3A_304 : vector<256x1024xf32>
    %slice3A_308 = vector.extract_strided_slice %get3A_5 {offsets = [2, 0, 0], sizes = [1, 256, 1024], strides = [1, 1, 1]} : vector<4x256x1024xf32> to vector<1x256x1024xf32>
    %squeeze3A_309 = vector.shape_cast %slice3A_308 : vector<1x256x1024xf32> to vector<256x1024xf32>
    %jit3A_310 = arith.constant 0.000000e+00 : f32
    %broadcast_in_dim3A_311 = vector.broadcast %jit3A_310 : f32 to vector<256x1024xf32>
    %select_n3A_312 = arith.select %lt3A_307, %squeeze3A_309, %broadcast_in_dim3A_311 : vector<256x1024xi1>, vector<256x1024xf32>
    %slice3A_313 = vector.extract_strided_slice %convert_element_type3A_10 {offsets = [2, 0, 0], sizes = [1, 1024, 32], strides = [1, 1, 1]} : vector<4x1024x32xf32> to vector<1x1024x32xf32>
    %squeeze3A_314 = vector.shape_cast %slice3A_313 : vector<1x1024x32xf32> to vector<1024x32xf32>
    %convert_element_type3A_315 = arith.truncf %select_n3A_312 : vector<256x1024xf32> to vector<256x1024xbf16>
    %convert_element_type3A_316 = arith.extf %convert_element_type3A_315 : vector<256x1024xbf16> to vector<256x1024xf32>
    %sub3A_317 = arith.subf %select_n3A_312, %convert_element_type3A_316 : vector<256x1024xf32>
    %dot_general3A_318 = arith.constant dense<0.000000e+00> : vector<256x32xf32>
    %dot_general3A_319 = tpu.matmul %convert_element_type3A_316, %squeeze3A_314, %dot_general3A_318 {dimension_numbers = #tpu.dot_dimension_numbers<[1], [0], [0], [1], [0, 0, 1, 1], [], []>, transpose_lhs_hint = false} : vector<256x1024xf32>, vector<1024x32xf32>, vector<256x32xf32> -> vector<256x32xf32>
    %dot_general3A_320 = arith.constant dense<0.000000e+00> : vector<256x32xf32>
    %dot_general3A_321 = tpu.matmul %sub3A_317, %squeeze3A_314, %dot_general3A_320 {dimension_numbers = #tpu.dot_dimension_numbers<[1], [0], [0], [1], [0, 0, 1, 1], [], []>, transpose_lhs_hint = false} : vector<256x1024xf32>, vector<1024x32xf32>, vector<256x32xf32> -> vector<256x32xf32>
    %add3A_322 = arith.addf %dot_general3A_319, %dot_general3A_321 : vector<256x32xf32>
    %broadcast_in_dim3A_323 = vector.shape_cast %add3A_322 : vector<256x32xf32> to vector<1x256x32xf32>
    %broadcast_in_dim3A_324 = vector.shape_cast %sub3A_288 : vector<256x32xf32> to vector<1x256x32xf32>
    %slice3A_325 = vector.extract_strided_slice %reduce_sum3A_11 {offsets = [3, 0], sizes = [1, 32], strides = [1, 1]} : vector<4x32xf32> to vector<1x32xf32>
    %slice3A_326 = vector.extract_strided_slice %concatenate3A_132 {offsets = [3, 0], sizes = [1, 32], strides = [1, 1]} : vector<4x32xf32> to vector<1x32xf32>
    %mul3A_327 = arith.constant 2.560000e+02 : f32
    %mul3A_328 = vector.broadcast %mul3A_327 : f32 to vector<1x32xf32>
    %mul3A_329 = arith.mulf %mul3A_328, %slice3A_326 : vector<1x32xf32>
    %mul3A_330 = vector.broadcast %convert_element_type3A_139 : vector<256x1xf32> to vector<256x32xf32>
    %mul3A_331 = vector.broadcast %slice3A_325 : vector<1x32xf32> to vector<256x32xf32>
    %mul3A_332 = arith.mulf %mul3A_330, %mul3A_331 : vector<256x32xf32>
    %add3A_333 = vector.broadcast %mul3A_329 : vector<1x32xf32> to vector<256x32xf32>
    %add3A_334 = arith.addf %add3A_333, %mul3A_332 : vector<256x32xf32>
    %div3A_335 = vector.broadcast %max3A_137 : vector<1x32xf32> to vector<256x32xf32>
    %div3A_336 = arith.divf %add3A_334, %div3A_335 : vector<256x32xf32>
    %floor3A_337 = math.floor %div3A_336 : vector<256x32xf32>
    %add3A_338 = arith.constant 1.000000e+00 : f32
    %add3A_339 = vector.broadcast %add3A_338 : f32 to vector<256x32xf32>
    %add3A_340 = arith.addf %floor3A_337, %add3A_339 : vector<256x32xf32>
    %mul3A_341 = vector.broadcast %max3A_137 : vector<1x32xf32> to vector<256x32xf32>
    %mul3A_342 = arith.mulf %add3A_340, %mul3A_341 : vector<256x32xf32>
    %le3A_343 = arith.cmpf ole, %mul3A_342, %add3A_334 : vector<256x32xf32>
    %convert_element_type3A_344 = arith.extui %le3A_343 : vector<256x32xi1> to vector<256x32xi32>
    %convert_element_type3A_345 = arith.sitofp %convert_element_type3A_344 : vector<256x32xi32> to vector<256x32xf32>
    %add3A_346 = arith.addf %floor3A_337, %convert_element_type3A_345 : vector<256x32xf32>
    %mul3A_347 = vector.broadcast %max3A_137 : vector<1x32xf32> to vector<256x32xf32>
    %mul3A_348 = arith.mulf %add3A_346, %mul3A_347 : vector<256x32xf32>
    %gt3A_349 = arith.cmpf ogt, %mul3A_348, %add3A_334 : vector<256x32xf32>
    %convert_element_type3A_350 = arith.extui %gt3A_349 : vector<256x32xi1> to vector<256x32xi32>
    %convert_element_type3A_351 = arith.sitofp %convert_element_type3A_350 : vector<256x32xi32> to vector<256x32xf32>
    %sub3A_352 = arith.subf %add3A_346, %convert_element_type3A_351 : vector<256x32xf32>
    %add3A_353 = arith.constant 1.000000e+00 : f32
    %add3A_354 = vector.broadcast %add3A_353 : f32 to vector<256x32xf32>
    %add3A_355 = arith.addf %sub3A_352, %add3A_354 : vector<256x32xf32>
    %mul3A_356 = vector.broadcast %max3A_137 : vector<1x32xf32> to vector<256x32xf32>
    %mul3A_357 = arith.mulf %add3A_355, %mul3A_356 : vector<256x32xf32>
    %sub3A_358 = arith.subf %mul3A_357, %add3A_334 : vector<256x32xf32>
    %min3A_359 = vector.broadcast %slice3A_325 : vector<1x32xf32> to vector<256x32xf32>
    %min3A_360 = arith.minimumf %sub3A_358, %min3A_359 : vector<256x32xf32>
    %convert_element_type3A_361 = arith.truncf %min3A_360 : vector<256x32xf32> to vector<256x32xbf16>
    %convert_element_type3A_362 = arith.extf %convert_element_type3A_361 : vector<256x32xbf16> to vector<256x32xf32>
    %sub3A_363 = arith.subf %min3A_360, %convert_element_type3A_362 : vector<256x32xf32>
    %dot_general3A_364 = arith.constant dense<0.000000e+00> : vector<256x1024xf32>
    %dot_general3A_365 = tpu.matmul %convert_element_type3A_362, %convert_element_type3A_91, %dot_general3A_364 {dimension_numbers = #tpu.dot_dimension_numbers<[1], [0], [0], [1], [0, 0, 1, 1], [], []>, transpose_lhs_hint = false} : vector<256x32xf32>, vector<32x1024xf32>, vector<256x1024xf32> -> vector<256x1024xf32>
    %dot_general3A_366 = arith.constant dense<0.000000e+00> : vector<256x1024xf32>
    %dot_general3A_367 = tpu.matmul %sub3A_363, %convert_element_type3A_91, %dot_general3A_366 {dimension_numbers = #tpu.dot_dimension_numbers<[1], [0], [0], [1], [0, 0, 1, 1], [], []>, transpose_lhs_hint = false} : vector<256x32xf32>, vector<32x1024xf32>, vector<256x1024xf32> -> vector<256x1024xf32>
    %add3A_368 = arith.addf %dot_general3A_365, %dot_general3A_367 : vector<256x1024xf32>
    %slice3A_369 = vector.extract_strided_slice %concatenate3A {offsets = [3, 0], sizes = [1, 1024], strides = [1, 1]} : vector<4x1024xf32> to vector<1x1024xf32>
    %lt3A_370 = vector.broadcast %slice3A_369 : vector<1x1024xf32> to vector<256x1024xf32>
    %lt3A_371 = arith.cmpf olt, %lt3A_370, %add3A_368 : vector<256x1024xf32>
    %slice3A_372 = vector.extract_strided_slice %get3A_5 {offsets = [3, 0, 0], sizes = [1, 256, 1024], strides = [1, 1, 1]} : vector<4x256x1024xf32> to vector<1x256x1024xf32>
    %squeeze3A_373 = vector.shape_cast %slice3A_372 : vector<1x256x1024xf32> to vector<256x1024xf32>
    %jit3A_374 = arith.constant 0.000000e+00 : f32
    %broadcast_in_dim3A_375 = vector.broadcast %jit3A_374 : f32 to vector<256x1024xf32>
    %select_n3A_376 = arith.select %lt3A_371, %squeeze3A_373, %broadcast_in_dim3A_375 : vector<256x1024xi1>, vector<256x1024xf32>
    %slice3A_377 = vector.extract_strided_slice %convert_element_type3A_10 {offsets = [3, 0, 0], sizes = [1, 1024, 32], strides = [1, 1, 1]} : vector<4x1024x32xf32> to vector<1x1024x32xf32>
    %squeeze3A_378 = vector.shape_cast %slice3A_377 : vector<1x1024x32xf32> to vector<1024x32xf32>
    %convert_element_type3A_379 = arith.truncf %select_n3A_376 : vector<256x1024xf32> to vector<256x1024xbf16>
    %convert_element_type3A_380 = arith.extf %convert_element_type3A_379 : vector<256x1024xbf16> to vector<256x1024xf32>
    %sub3A_381 = arith.subf %select_n3A_376, %convert_element_type3A_380 : vector<256x1024xf32>
    %dot_general3A_382 = arith.constant dense<0.000000e+00> : vector<256x32xf32>
    %dot_general3A_383 = tpu.matmul %convert_element_type3A_380, %squeeze3A_378, %dot_general3A_382 {dimension_numbers = #tpu.dot_dimension_numbers<[1], [0], [0], [1], [0, 0, 1, 1], [], []>, transpose_lhs_hint = false} : vector<256x1024xf32>, vector<1024x32xf32>, vector<256x32xf32> -> vector<256x32xf32>
    %dot_general3A_384 = arith.constant dense<0.000000e+00> : vector<256x32xf32>
    %dot_general3A_385 = tpu.matmul %sub3A_381, %squeeze3A_378, %dot_general3A_384 {dimension_numbers = #tpu.dot_dimension_numbers<[1], [0], [0], [1], [0, 0, 1, 1], [], []>, transpose_lhs_hint = false} : vector<256x1024xf32>, vector<1024x32xf32>, vector<256x32xf32> -> vector<256x32xf32>
    %add3A_386 = arith.addf %dot_general3A_383, %dot_general3A_385 : vector<256x32xf32>
    %broadcast_in_dim3A_387 = vector.shape_cast %add3A_386 : vector<256x32xf32> to vector<1x256x32xf32>
    %broadcast_in_dim3A_388 = vector.shape_cast %sub3A_352 : vector<256x32xf32> to vector<1x256x32xf32>
    %concatenate3A_389 = tpu.concatenate %broadcast_in_dim3A_195, %broadcast_in_dim3A_259, %broadcast_in_dim3A_323, %broadcast_in_dim3A_387 in 0 : vector<1x256x32xf32>, vector<1x256x32xf32>, vector<1x256x32xf32>, vector<1x256x32xf32> -> vector<4x256x32xf32>
    %concatenate3A_390 = tpu.concatenate %broadcast_in_dim3A_196, %broadcast_in_dim3A_260, %broadcast_in_dim3A_324, %broadcast_in_dim3A_388 in 0 : vector<1x256x32xf32>, vector<1x256x32xf32>, vector<1x256x32xf32>, vector<1x256x32xf32> -> vector<4x256x32xf32>
    %iota3A_391 = tpu.iota {dimensions = array<i32: 2>} : vector<1x1x256xi32>
    %convert_element_type3A_392 = arith.sitofp %iota3A_391 : vector<1x1x256xi32> to vector<1x1x256xf32>
    %broadcast_in_dim3A_393 = arith.constant 0.000000e+00 : f32
    %broadcast_in_dim3A_394 = vector.broadcast %broadcast_in_dim3A_393 : f32 to vector<1x1xf32>
    %slice3A_395 = vector.extract_strided_slice %concatenate3A_390 {offsets = [0, 0, 1], sizes = [4, 256, 1], strides = [1, 1, 1]} : vector<4x256x32xf32> to vector<4x256x1xf32>
    %slice3A_396 = vector.extract_strided_slice %concatenate3A_389 {offsets = [0, 0, 1], sizes = [4, 256, 1], strides = [1, 1, 1]} : vector<4x256x32xf32> to vector<4x256x1xf32>
    %slice3A_397 = vector.extract_strided_slice %concatenate3A_111 {offsets = [0, 0, 1], sizes = [4, 256, 1], strides = [1, 1, 1]} : vector<4x256x32xf32> to vector<4x256x1xf32>
    %eq3A_398 = vector.broadcast %slice3A_395 : vector<4x256x1xf32> to vector<4x256x256xf32>
    %eq3A_399 = vector.broadcast %convert_element_type3A_392 : vector<1x1x256xf32> to vector<4x256x256xf32>
    %eq3A_400 = arith.cmpf oeq, %eq3A_398, %eq3A_399 : vector<4x256x256xf32>
    %jit3A_401 = arith.constant 0.000000e+00 : f32
    %broadcast_in_dim3A_402 = vector.shape_cast %slice3A_396 : vector<4x256x1xf32> to vector<4x256x1xf32>
    %broadcast_in_dim3A_403 = vector.broadcast %broadcast_in_dim3A_402 : vector<4x256x1xf32> to vector<4x256x256xf32>
    %broadcast_in_dim3A_404 = vector.broadcast %jit3A_401 : f32 to vector<4x256x256xf32>
    %select_n3A_405 = arith.select %eq3A_400, %broadcast_in_dim3A_403, %broadcast_in_dim3A_404 : vector<4x256x256xi1>, vector<4x256x256xf32>
    %reduce_sum3A_406 = arith.constant dense<0.000000e+00> : vector<256x256xf32>
    %reduce_sum3A_407 = vector.multi_reduction <add>, %select_n3A_405, %reduce_sum3A_406 [0] : vector<4x256x256xf32> to vector<256x256xf32>
    %reduce_sum3A_408 = arith.constant dense<0.000000e+00> : vector<256xf32>
    %reduce_sum3A_409 = vector.multi_reduction <add>, %reduce_sum3A_407, %reduce_sum3A_408 [0] : vector<256x256xf32> to vector<256xf32>
    %broadcast_in_dim3A_410 = vector.shape_cast %reduce_sum3A_409 : vector<256xf32> to vector<1x256xf32>
    %jit3A_411 = arith.constant 0.000000e+00 : f32
    %broadcast_in_dim3A_412 = vector.shape_cast %slice3A_397 : vector<4x256x1xf32> to vector<4x256x1xf32>
    %broadcast_in_dim3A_413 = vector.broadcast %broadcast_in_dim3A_412 : vector<4x256x1xf32> to vector<4x256x256xf32>
    %broadcast_in_dim3A_414 = vector.broadcast %jit3A_411 : f32 to vector<4x256x256xf32>
    %select_n3A_415 = arith.select %eq3A_400, %broadcast_in_dim3A_413, %broadcast_in_dim3A_414 : vector<4x256x256xi1>, vector<4x256x256xf32>
    %reduce_sum3A_416 = arith.constant dense<0.000000e+00> : vector<256x256xf32>
    %reduce_sum3A_417 = vector.multi_reduction <add>, %select_n3A_415, %reduce_sum3A_416 [0] : vector<4x256x256xf32> to vector<256x256xf32>
    %reduce_sum3A_418 = arith.constant dense<0.000000e+00> : vector<256xf32>
    %reduce_sum3A_419 = vector.multi_reduction <add>, %reduce_sum3A_417, %reduce_sum3A_418 [0] : vector<256x256xf32> to vector<256xf32>
    %broadcast_in_dim3A_420 = vector.shape_cast %reduce_sum3A_419 : vector<256xf32> to vector<1x256xf32>
    %sub3A_421 = arith.subf %broadcast_in_dim3A_420, %broadcast_in_dim3A_410 : vector<1x256xf32>
    %slice3A_422 = vector.extract_strided_slice %sub3A_421 {offsets = [0, 0], sizes = [1, 255], strides = [1, 1]} : vector<1x256xf32> to vector<1x255xf32>
    %concatenate3A_423 = tpu.concatenate %broadcast_in_dim3A_394, %slice3A_422 in 1 : vector<1x1xf32>, vector<1x255xf32> -> vector<1x256xf32>
    %add3A_424 = arith.addf %broadcast_in_dim3A_410, %concatenate3A_423 : vector<1x256xf32>
    %slice3A_425 = vector.extract_strided_slice %concatenate3A_390 {offsets = [0, 0, 2], sizes = [4, 256, 1], strides = [1, 1, 1]} : vector<4x256x32xf32> to vector<4x256x1xf32>
    %slice3A_426 = vector.extract_strided_slice %concatenate3A_389 {offsets = [0, 0, 2], sizes = [4, 256, 1], strides = [1, 1, 1]} : vector<4x256x32xf32> to vector<4x256x1xf32>
    %slice3A_427 = vector.extract_strided_slice %concatenate3A_111 {offsets = [0, 0, 2], sizes = [4, 256, 1], strides = [1, 1, 1]} : vector<4x256x32xf32> to vector<4x256x1xf32>
    %eq3A_428 = vector.broadcast %slice3A_425 : vector<4x256x1xf32> to vector<4x256x256xf32>
    %eq3A_429 = vector.broadcast %convert_element_type3A_392 : vector<1x1x256xf32> to vector<4x256x256xf32>
    %eq3A_430 = arith.cmpf oeq, %eq3A_428, %eq3A_429 : vector<4x256x256xf32>
    %jit3A_431 = arith.constant 0.000000e+00 : f32
    %broadcast_in_dim3A_432 = vector.shape_cast %slice3A_426 : vector<4x256x1xf32> to vector<4x256x1xf32>
    %broadcast_in_dim3A_433 = vector.broadcast %broadcast_in_dim3A_432 : vector<4x256x1xf32> to vector<4x256x256xf32>
    %broadcast_in_dim3A_434 = vector.broadcast %jit3A_431 : f32 to vector<4x256x256xf32>
    %select_n3A_435 = arith.select %eq3A_430, %broadcast_in_dim3A_433, %broadcast_in_dim3A_434 : vector<4x256x256xi1>, vector<4x256x256xf32>
    %reduce_sum3A_436 = arith.constant dense<0.000000e+00> : vector<256x256xf32>
    %reduce_sum3A_437 = vector.multi_reduction <add>, %select_n3A_435, %reduce_sum3A_436 [0] : vector<4x256x256xf32> to vector<256x256xf32>
    %reduce_sum3A_438 = arith.constant dense<0.000000e+00> : vector<256xf32>
    %reduce_sum3A_439 = vector.multi_reduction <add>, %reduce_sum3A_437, %reduce_sum3A_438 [0] : vector<256x256xf32> to vector<256xf32>
    %broadcast_in_dim3A_440 = vector.shape_cast %reduce_sum3A_439 : vector<256xf32> to vector<1x256xf32>
    %jit3A_441 = arith.constant 0.000000e+00 : f32
    %broadcast_in_dim3A_442 = vector.shape_cast %slice3A_427 : vector<4x256x1xf32> to vector<4x256x1xf32>
    %broadcast_in_dim3A_443 = vector.broadcast %broadcast_in_dim3A_442 : vector<4x256x1xf32> to vector<4x256x256xf32>
    %broadcast_in_dim3A_444 = vector.broadcast %jit3A_441 : f32 to vector<4x256x256xf32>
    %select_n3A_445 = arith.select %eq3A_430, %broadcast_in_dim3A_443, %broadcast_in_dim3A_444 : vector<4x256x256xi1>, vector<4x256x256xf32>
    %reduce_sum3A_446 = arith.constant dense<0.000000e+00> : vector<256x256xf32>
    %reduce_sum3A_447 = vector.multi_reduction <add>, %select_n3A_445, %reduce_sum3A_446 [0] : vector<4x256x256xf32> to vector<256x256xf32>
    %reduce_sum3A_448 = arith.constant dense<0.000000e+00> : vector<256xf32>
    %reduce_sum3A_449 = vector.multi_reduction <add>, %reduce_sum3A_447, %reduce_sum3A_448 [0] : vector<256x256xf32> to vector<256xf32>
    %broadcast_in_dim3A_450 = vector.shape_cast %reduce_sum3A_449 : vector<256xf32> to vector<1x256xf32>
    %sub3A_451 = arith.subf %broadcast_in_dim3A_450, %broadcast_in_dim3A_440 : vector<1x256xf32>
    %slice3A_452 = vector.extract_strided_slice %sub3A_451 {offsets = [0, 0], sizes = [1, 255], strides = [1, 1]} : vector<1x256xf32> to vector<1x255xf32>
    %concatenate3A_453 = tpu.concatenate %broadcast_in_dim3A_394, %slice3A_452 in 1 : vector<1x1xf32>, vector<1x255xf32> -> vector<1x256xf32>
    %add3A_454 = arith.addf %broadcast_in_dim3A_440, %concatenate3A_453 : vector<1x256xf32>
    %slice3A_455 = vector.extract_strided_slice %concatenate3A_390 {offsets = [0, 0, 3], sizes = [4, 256, 1], strides = [1, 1, 1]} : vector<4x256x32xf32> to vector<4x256x1xf32>
    %slice3A_456 = vector.extract_strided_slice %concatenate3A_389 {offsets = [0, 0, 3], sizes = [4, 256, 1], strides = [1, 1, 1]} : vector<4x256x32xf32> to vector<4x256x1xf32>
    %slice3A_457 = vector.extract_strided_slice %concatenate3A_111 {offsets = [0, 0, 3], sizes = [4, 256, 1], strides = [1, 1, 1]} : vector<4x256x32xf32> to vector<4x256x1xf32>
    %eq3A_458 = vector.broadcast %slice3A_455 : vector<4x256x1xf32> to vector<4x256x256xf32>
    %eq3A_459 = vector.broadcast %convert_element_type3A_392 : vector<1x1x256xf32> to vector<4x256x256xf32>
    %eq3A_460 = arith.cmpf oeq, %eq3A_458, %eq3A_459 : vector<4x256x256xf32>
    %jit3A_461 = arith.constant 0.000000e+00 : f32
    %broadcast_in_dim3A_462 = vector.shape_cast %slice3A_456 : vector<4x256x1xf32> to vector<4x256x1xf32>
    %broadcast_in_dim3A_463 = vector.broadcast %broadcast_in_dim3A_462 : vector<4x256x1xf32> to vector<4x256x256xf32>
    %broadcast_in_dim3A_464 = vector.broadcast %jit3A_461 : f32 to vector<4x256x256xf32>
    %select_n3A_465 = arith.select %eq3A_460, %broadcast_in_dim3A_463, %broadcast_in_dim3A_464 : vector<4x256x256xi1>, vector<4x256x256xf32>
    %reduce_sum3A_466 = arith.constant dense<0.000000e+00> : vector<256x256xf32>
    %reduce_sum3A_467 = vector.multi_reduction <add>, %select_n3A_465, %reduce_sum3A_466 [0] : vector<4x256x256xf32> to vector<256x256xf32>
    %reduce_sum3A_468 = arith.constant dense<0.000000e+00> : vector<256xf32>
    %reduce_sum3A_469 = vector.multi_reduction <add>, %reduce_sum3A_467, %reduce_sum3A_468 [0] : vector<256x256xf32> to vector<256xf32>
    %broadcast_in_dim3A_470 = vector.shape_cast %reduce_sum3A_469 : vector<256xf32> to vector<1x256xf32>
    %jit3A_471 = arith.constant 0.000000e+00 : f32
    %broadcast_in_dim3A_472 = vector.shape_cast %slice3A_457 : vector<4x256x1xf32> to vector<4x256x1xf32>
    %broadcast_in_dim3A_473 = vector.broadcast %broadcast_in_dim3A_472 : vector<4x256x1xf32> to vector<4x256x256xf32>
    %broadcast_in_dim3A_474 = vector.broadcast %jit3A_471 : f32 to vector<4x256x256xf32>
    %select_n3A_475 = arith.select %eq3A_460, %broadcast_in_dim3A_473, %broadcast_in_dim3A_474 : vector<4x256x256xi1>, vector<4x256x256xf32>
    %reduce_sum3A_476 = arith.constant dense<0.000000e+00> : vector<256x256xf32>
    %reduce_sum3A_477 = vector.multi_reduction <add>, %select_n3A_475, %reduce_sum3A_476 [0] : vector<4x256x256xf32> to vector<256x256xf32>
    %reduce_sum3A_478 = arith.constant dense<0.000000e+00> : vector<256xf32>
    %reduce_sum3A_479 = vector.multi_reduction <add>, %reduce_sum3A_477, %reduce_sum3A_478 [0] : vector<256x256xf32> to vector<256xf32>
    %broadcast_in_dim3A_480 = vector.shape_cast %reduce_sum3A_479 : vector<256xf32> to vector<1x256xf32>
    %sub3A_481 = arith.subf %broadcast_in_dim3A_480, %broadcast_in_dim3A_470 : vector<1x256xf32>
    %slice3A_482 = vector.extract_strided_slice %sub3A_481 {offsets = [0, 0], sizes = [1, 255], strides = [1, 1]} : vector<1x256xf32> to vector<1x255xf32>
    %concatenate3A_483 = tpu.concatenate %broadcast_in_dim3A_394, %slice3A_482 in 1 : vector<1x1xf32>, vector<1x255xf32> -> vector<1x256xf32>
    %add3A_484 = arith.addf %broadcast_in_dim3A_470, %concatenate3A_483 : vector<1x256xf32>
    %slice3A_485 = vector.extract_strided_slice %concatenate3A_390 {offsets = [0, 0, 4], sizes = [4, 256, 1], strides = [1, 1, 1]} : vector<4x256x32xf32> to vector<4x256x1xf32>
    %slice3A_486 = vector.extract_strided_slice %concatenate3A_389 {offsets = [0, 0, 4], sizes = [4, 256, 1], strides = [1, 1, 1]} : vector<4x256x32xf32> to vector<4x256x1xf32>
    %slice3A_487 = vector.extract_strided_slice %concatenate3A_111 {offsets = [0, 0, 4], sizes = [4, 256, 1], strides = [1, 1, 1]} : vector<4x256x32xf32> to vector<4x256x1xf32>
    %eq3A_488 = vector.broadcast %slice3A_485 : vector<4x256x1xf32> to vector<4x256x256xf32>
    %eq3A_489 = vector.broadcast %convert_element_type3A_392 : vector<1x1x256xf32> to vector<4x256x256xf32>
    %eq3A_490 = arith.cmpf oeq, %eq3A_488, %eq3A_489 : vector<4x256x256xf32>
    %jit3A_491 = arith.constant 0.000000e+00 : f32
    %broadcast_in_dim3A_492 = vector.shape_cast %slice3A_486 : vector<4x256x1xf32> to vector<4x256x1xf32>
    %broadcast_in_dim3A_493 = vector.broadcast %broadcast_in_dim3A_492 : vector<4x256x1xf32> to vector<4x256x256xf32>
    %broadcast_in_dim3A_494 = vector.broadcast %jit3A_491 : f32 to vector<4x256x256xf32>
    %select_n3A_495 = arith.select %eq3A_490, %broadcast_in_dim3A_493, %broadcast_in_dim3A_494 : vector<4x256x256xi1>, vector<4x256x256xf32>
    %reduce_sum3A_496 = arith.constant dense<0.000000e+00> : vector<256x256xf32>
    %reduce_sum3A_497 = vector.multi_reduction <add>, %select_n3A_495, %reduce_sum3A_496 [0] : vector<4x256x256xf32> to vector<256x256xf32>
    %reduce_sum3A_498 = arith.constant dense<0.000000e+00> : vector<256xf32>
    %reduce_sum3A_499 = vector.multi_reduction <add>, %reduce_sum3A_497, %reduce_sum3A_498 [0] : vector<256x256xf32> to vector<256xf32>
    %broadcast_in_dim3A_500 = vector.shape_cast %reduce_sum3A_499 : vector<256xf32> to vector<1x256xf32>
    %jit3A_501 = arith.constant 0.000000e+00 : f32
    %broadcast_in_dim3A_502 = vector.shape_cast %slice3A_487 : vector<4x256x1xf32> to vector<4x256x1xf32>
    %broadcast_in_dim3A_503 = vector.broadcast %broadcast_in_dim3A_502 : vector<4x256x1xf32> to vector<4x256x256xf32>
    %broadcast_in_dim3A_504 = vector.broadcast %jit3A_501 : f32 to vector<4x256x256xf32>
    %select_n3A_505 = arith.select %eq3A_490, %broadcast_in_dim3A_503, %broadcast_in_dim3A_504 : vector<4x256x256xi1>, vector<4x256x256xf32>
    %reduce_sum3A_506 = arith.constant dense<0.000000e+00> : vector<256x256xf32>
    %reduce_sum3A_507 = vector.multi_reduction <add>, %select_n3A_505, %reduce_sum3A_506 [0] : vector<4x256x256xf32> to vector<256x256xf32>
    %reduce_sum3A_508 = arith.constant dense<0.000000e+00> : vector<256xf32>
    %reduce_sum3A_509 = vector.multi_reduction <add>, %reduce_sum3A_507, %reduce_sum3A_508 [0] : vector<256x256xf32> to vector<256xf32>
    %broadcast_in_dim3A_510 = vector.shape_cast %reduce_sum3A_509 : vector<256xf32> to vector<1x256xf32>
    %sub3A_511 = arith.subf %broadcast_in_dim3A_510, %broadcast_in_dim3A_500 : vector<1x256xf32>
    %slice3A_512 = vector.extract_strided_slice %sub3A_511 {offsets = [0, 0], sizes = [1, 255], strides = [1, 1]} : vector<1x256xf32> to vector<1x255xf32>
    %concatenate3A_513 = tpu.concatenate %broadcast_in_dim3A_394, %slice3A_512 in 1 : vector<1x1xf32>, vector<1x255xf32> -> vector<1x256xf32>
    %add3A_514 = arith.addf %broadcast_in_dim3A_500, %concatenate3A_513 : vector<1x256xf32>
    %slice3A_515 = vector.extract_strided_slice %concatenate3A_390 {offsets = [0, 0, 5], sizes = [4, 256, 1], strides = [1, 1, 1]} : vector<4x256x32xf32> to vector<4x256x1xf32>
    %slice3A_516 = vector.extract_strided_slice %concatenate3A_389 {offsets = [0, 0, 5], sizes = [4, 256, 1], strides = [1, 1, 1]} : vector<4x256x32xf32> to vector<4x256x1xf32>
    %slice3A_517 = vector.extract_strided_slice %concatenate3A_111 {offsets = [0, 0, 5], sizes = [4, 256, 1], strides = [1, 1, 1]} : vector<4x256x32xf32> to vector<4x256x1xf32>
    %eq3A_518 = vector.broadcast %slice3A_515 : vector<4x256x1xf32> to vector<4x256x256xf32>
    %eq3A_519 = vector.broadcast %convert_element_type3A_392 : vector<1x1x256xf32> to vector<4x256x256xf32>
    %eq3A_520 = arith.cmpf oeq, %eq3A_518, %eq3A_519 : vector<4x256x256xf32>
    %jit3A_521 = arith.constant 0.000000e+00 : f32
    %broadcast_in_dim3A_522 = vector.shape_cast %slice3A_516 : vector<4x256x1xf32> to vector<4x256x1xf32>
    %broadcast_in_dim3A_523 = vector.broadcast %broadcast_in_dim3A_522 : vector<4x256x1xf32> to vector<4x256x256xf32>
    %broadcast_in_dim3A_524 = vector.broadcast %jit3A_521 : f32 to vector<4x256x256xf32>
    %select_n3A_525 = arith.select %eq3A_520, %broadcast_in_dim3A_523, %broadcast_in_dim3A_524 : vector<4x256x256xi1>, vector<4x256x256xf32>
    %reduce_sum3A_526 = arith.constant dense<0.000000e+00> : vector<256x256xf32>
    %reduce_sum3A_527 = vector.multi_reduction <add>, %select_n3A_525, %reduce_sum3A_526 [0] : vector<4x256x256xf32> to vector<256x256xf32>
    %reduce_sum3A_528 = arith.constant dense<0.000000e+00> : vector<256xf32>
    %reduce_sum3A_529 = vector.multi_reduction <add>, %reduce_sum3A_527, %reduce_sum3A_528 [0] : vector<256x256xf32> to vector<256xf32>
    %broadcast_in_dim3A_530 = vector.shape_cast %reduce_sum3A_529 : vector<256xf32> to vector<1x256xf32>
    %jit3A_531 = arith.constant 0.000000e+00 : f32
    %broadcast_in_dim3A_532 = vector.shape_cast %slice3A_517 : vector<4x256x1xf32> to vector<4x256x1xf32>
    %broadcast_in_dim3A_533 = vector.broadcast %broadcast_in_dim3A_532 : vector<4x256x1xf32> to vector<4x256x256xf32>
    %broadcast_in_dim3A_534 = vector.broadcast %jit3A_531 : f32 to vector<4x256x256xf32>
    %select_n3A_535 = arith.select %eq3A_520, %broadcast_in_dim3A_533, %broadcast_in_dim3A_534 : vector<4x256x256xi1>, vector<4x256x256xf32>
    %reduce_sum3A_536 = arith.constant dense<0.000000e+00> : vector<256x256xf32>
    %reduce_sum3A_537 = vector.multi_reduction <add>, %select_n3A_535, %reduce_sum3A_536 [0] : vector<4x256x256xf32> to vector<256x256xf32>
    %reduce_sum3A_538 = arith.constant dense<0.000000e+00> : vector<256xf32>
    %reduce_sum3A_539 = vector.multi_reduction <add>, %reduce_sum3A_537, %reduce_sum3A_538 [0] : vector<256x256xf32> to vector<256xf32>
    %broadcast_in_dim3A_540 = vector.shape_cast %reduce_sum3A_539 : vector<256xf32> to vector<1x256xf32>
    %sub3A_541 = arith.subf %broadcast_in_dim3A_540, %broadcast_in_dim3A_530 : vector<1x256xf32>
    %slice3A_542 = vector.extract_strided_slice %sub3A_541 {offsets = [0, 0], sizes = [1, 255], strides = [1, 1]} : vector<1x256xf32> to vector<1x255xf32>
    %concatenate3A_543 = tpu.concatenate %broadcast_in_dim3A_394, %slice3A_542 in 1 : vector<1x1xf32>, vector<1x255xf32> -> vector<1x256xf32>
    %add3A_544 = arith.addf %broadcast_in_dim3A_530, %concatenate3A_543 : vector<1x256xf32>
    %slice3A_545 = vector.extract_strided_slice %concatenate3A_390 {offsets = [0, 0, 6], sizes = [4, 256, 1], strides = [1, 1, 1]} : vector<4x256x32xf32> to vector<4x256x1xf32>
    %slice3A_546 = vector.extract_strided_slice %concatenate3A_389 {offsets = [0, 0, 6], sizes = [4, 256, 1], strides = [1, 1, 1]} : vector<4x256x32xf32> to vector<4x256x1xf32>
    %slice3A_547 = vector.extract_strided_slice %concatenate3A_111 {offsets = [0, 0, 6], sizes = [4, 256, 1], strides = [1, 1, 1]} : vector<4x256x32xf32> to vector<4x256x1xf32>
    %eq3A_548 = vector.broadcast %slice3A_545 : vector<4x256x1xf32> to vector<4x256x256xf32>
    %eq3A_549 = vector.broadcast %convert_element_type3A_392 : vector<1x1x256xf32> to vector<4x256x256xf32>
    %eq3A_550 = arith.cmpf oeq, %eq3A_548, %eq3A_549 : vector<4x256x256xf32>
    %jit3A_551 = arith.constant 0.000000e+00 : f32
    %broadcast_in_dim3A_552 = vector.shape_cast %slice3A_546 : vector<4x256x1xf32> to vector<4x256x1xf32>
    %broadcast_in_dim3A_553 = vector.broadcast %broadcast_in_dim3A_552 : vector<4x256x1xf32> to vector<4x256x256xf32>
    %broadcast_in_dim3A_554 = vector.broadcast %jit3A_551 : f32 to vector<4x256x256xf32>
    %select_n3A_555 = arith.select %eq3A_550, %broadcast_in_dim3A_553, %broadcast_in_dim3A_554 : vector<4x256x256xi1>, vector<4x256x256xf32>
    %reduce_sum3A_556 = arith.constant dense<0.000000e+00> : vector<256x256xf32>
    %reduce_sum3A_557 = vector.multi_reduction <add>, %select_n3A_555, %reduce_sum3A_556 [0] : vector<4x256x256xf32> to vector<256x256xf32>
    %reduce_sum3A_558 = arith.constant dense<0.000000e+00> : vector<256xf32>
    %reduce_sum3A_559 = vector.multi_reduction <add>, %reduce_sum3A_557, %reduce_sum3A_558 [0] : vector<256x256xf32> to vector<256xf32>
    %broadcast_in_dim3A_560 = vector.shape_cast %reduce_sum3A_559 : vector<256xf32> to vector<1x256xf32>
    %jit3A_561 = arith.constant 0.000000e+00 : f32
    %broadcast_in_dim3A_562 = vector.shape_cast %slice3A_547 : vector<4x256x1xf32> to vector<4x256x1xf32>
    %broadcast_in_dim3A_563 = vector.broadcast %broadcast_in_dim3A_562 : vector<4x256x1xf32> to vector<4x256x256xf32>
    %broadcast_in_dim3A_564 = vector.broadcast %jit3A_561 : f32 to vector<4x256x256xf32>
    %select_n3A_565 = arith.select %eq3A_550, %broadcast_in_dim3A_563, %broadcast_in_dim3A_564 : vector<4x256x256xi1>, vector<4x256x256xf32>
    %reduce_sum3A_566 = arith.constant dense<0.000000e+00> : vector<256x256xf32>
    %reduce_sum3A_567 = vector.multi_reduction <add>, %select_n3A_565, %reduce_sum3A_566 [0] : vector<4x256x256xf32> to vector<256x256xf32>
    %reduce_sum3A_568 = arith.constant dense<0.000000e+00> : vector<256xf32>
    %reduce_sum3A_569 = vector.multi_reduction <add>, %reduce_sum3A_567, %reduce_sum3A_568 [0] : vector<256x256xf32> to vector<256xf32>
    %broadcast_in_dim3A_570 = vector.shape_cast %reduce_sum3A_569 : vector<256xf32> to vector<1x256xf32>
    %sub3A_571 = arith.subf %broadcast_in_dim3A_570, %broadcast_in_dim3A_560 : vector<1x256xf32>
    %slice3A_572 = vector.extract_strided_slice %sub3A_571 {offsets = [0, 0], sizes = [1, 255], strides = [1, 1]} : vector<1x256xf32> to vector<1x255xf32>
    %concatenate3A_573 = tpu.concatenate %broadcast_in_dim3A_394, %slice3A_572 in 1 : vector<1x1xf32>, vector<1x255xf32> -> vector<1x256xf32>
    %add3A_574 = arith.addf %broadcast_in_dim3A_560, %concatenate3A_573 : vector<1x256xf32>
    %slice3A_575 = vector.extract_strided_slice %concatenate3A_390 {offsets = [0, 0, 7], sizes = [4, 256, 1], strides = [1, 1, 1]} : vector<4x256x32xf32> to vector<4x256x1xf32>
    %slice3A_576 = vector.extract_strided_slice %concatenate3A_389 {offsets = [0, 0, 7], sizes = [4, 256, 1], strides = [1, 1, 1]} : vector<4x256x32xf32> to vector<4x256x1xf32>
    %slice3A_577 = vector.extract_strided_slice %concatenate3A_111 {offsets = [0, 0, 7], sizes = [4, 256, 1], strides = [1, 1, 1]} : vector<4x256x32xf32> to vector<4x256x1xf32>
    %eq3A_578 = vector.broadcast %slice3A_575 : vector<4x256x1xf32> to vector<4x256x256xf32>
    %eq3A_579 = vector.broadcast %convert_element_type3A_392 : vector<1x1x256xf32> to vector<4x256x256xf32>
    %eq3A_580 = arith.cmpf oeq, %eq3A_578, %eq3A_579 : vector<4x256x256xf32>
    %jit3A_581 = arith.constant 0.000000e+00 : f32
    %broadcast_in_dim3A_582 = vector.shape_cast %slice3A_576 : vector<4x256x1xf32> to vector<4x256x1xf32>
    %broadcast_in_dim3A_583 = vector.broadcast %broadcast_in_dim3A_582 : vector<4x256x1xf32> to vector<4x256x256xf32>
    %broadcast_in_dim3A_584 = vector.broadcast %jit3A_581 : f32 to vector<4x256x256xf32>
    %select_n3A_585 = arith.select %eq3A_580, %broadcast_in_dim3A_583, %broadcast_in_dim3A_584 : vector<4x256x256xi1>, vector<4x256x256xf32>
    %reduce_sum3A_586 = arith.constant dense<0.000000e+00> : vector<256x256xf32>
    %reduce_sum3A_587 = vector.multi_reduction <add>, %select_n3A_585, %reduce_sum3A_586 [0] : vector<4x256x256xf32> to vector<256x256xf32>
    %reduce_sum3A_588 = arith.constant dense<0.000000e+00> : vector<256xf32>
    %reduce_sum3A_589 = vector.multi_reduction <add>, %reduce_sum3A_587, %reduce_sum3A_588 [0] : vector<256x256xf32> to vector<256xf32>
    %broadcast_in_dim3A_590 = vector.shape_cast %reduce_sum3A_589 : vector<256xf32> to vector<1x256xf32>
    %jit3A_591 = arith.constant 0.000000e+00 : f32
    %broadcast_in_dim3A_592 = vector.shape_cast %slice3A_577 : vector<4x256x1xf32> to vector<4x256x1xf32>
    %broadcast_in_dim3A_593 = vector.broadcast %broadcast_in_dim3A_592 : vector<4x256x1xf32> to vector<4x256x256xf32>
    %broadcast_in_dim3A_594 = vector.broadcast %jit3A_591 : f32 to vector<4x256x256xf32>
    %select_n3A_595 = arith.select %eq3A_580, %broadcast_in_dim3A_593, %broadcast_in_dim3A_594 : vector<4x256x256xi1>, vector<4x256x256xf32>
    %reduce_sum3A_596 = arith.constant dense<0.000000e+00> : vector<256x256xf32>
    %reduce_sum3A_597 = vector.multi_reduction <add>, %select_n3A_595, %reduce_sum3A_596 [0] : vector<4x256x256xf32> to vector<256x256xf32>
    %reduce_sum3A_598 = arith.constant dense<0.000000e+00> : vector<256xf32>
    %reduce_sum3A_599 = vector.multi_reduction <add>, %reduce_sum3A_597, %reduce_sum3A_598 [0] : vector<256x256xf32> to vector<256xf32>
    %broadcast_in_dim3A_600 = vector.shape_cast %reduce_sum3A_599 : vector<256xf32> to vector<1x256xf32>
    %sub3A_601 = arith.subf %broadcast_in_dim3A_600, %broadcast_in_dim3A_590 : vector<1x256xf32>
    %slice3A_602 = vector.extract_strided_slice %sub3A_601 {offsets = [0, 0], sizes = [1, 255], strides = [1, 1]} : vector<1x256xf32> to vector<1x255xf32>
    %concatenate3A_603 = tpu.concatenate %broadcast_in_dim3A_394, %slice3A_602 in 1 : vector<1x1xf32>, vector<1x255xf32> -> vector<1x256xf32>
    %add3A_604 = arith.addf %broadcast_in_dim3A_590, %concatenate3A_603 : vector<1x256xf32>
    %slice3A_605 = vector.extract_strided_slice %concatenate3A_390 {offsets = [0, 0, 8], sizes = [4, 256, 1], strides = [1, 1, 1]} : vector<4x256x32xf32> to vector<4x256x1xf32>
    %slice3A_606 = vector.extract_strided_slice %concatenate3A_389 {offsets = [0, 0, 8], sizes = [4, 256, 1], strides = [1, 1, 1]} : vector<4x256x32xf32> to vector<4x256x1xf32>
    %slice3A_607 = vector.extract_strided_slice %concatenate3A_111 {offsets = [0, 0, 8], sizes = [4, 256, 1], strides = [1, 1, 1]} : vector<4x256x32xf32> to vector<4x256x1xf32>
    %eq3A_608 = vector.broadcast %slice3A_605 : vector<4x256x1xf32> to vector<4x256x256xf32>
    %eq3A_609 = vector.broadcast %convert_element_type3A_392 : vector<1x1x256xf32> to vector<4x256x256xf32>
    %eq3A_610 = arith.cmpf oeq, %eq3A_608, %eq3A_609 : vector<4x256x256xf32>
    %jit3A_611 = arith.constant 0.000000e+00 : f32
    %broadcast_in_dim3A_612 = vector.shape_cast %slice3A_606 : vector<4x256x1xf32> to vector<4x256x1xf32>
    %broadcast_in_dim3A_613 = vector.broadcast %broadcast_in_dim3A_612 : vector<4x256x1xf32> to vector<4x256x256xf32>
    %broadcast_in_dim3A_614 = vector.broadcast %jit3A_611 : f32 to vector<4x256x256xf32>
    %select_n3A_615 = arith.select %eq3A_610, %broadcast_in_dim3A_613, %broadcast_in_dim3A_614 : vector<4x256x256xi1>, vector<4x256x256xf32>
    %reduce_sum3A_616 = arith.constant dense<0.000000e+00> : vector<256x256xf32>
    %reduce_sum3A_617 = vector.multi_reduction <add>, %select_n3A_615, %reduce_sum3A_616 [0] : vector<4x256x256xf32> to vector<256x256xf32>
    %reduce_sum3A_618 = arith.constant dense<0.000000e+00> : vector<256xf32>
    %reduce_sum3A_619 = vector.multi_reduction <add>, %reduce_sum3A_617, %reduce_sum3A_618 [0] : vector<256x256xf32> to vector<256xf32>
    %broadcast_in_dim3A_620 = vector.shape_cast %reduce_sum3A_619 : vector<256xf32> to vector<1x256xf32>
    %jit3A_621 = arith.constant 0.000000e+00 : f32
    %broadcast_in_dim3A_622 = vector.shape_cast %slice3A_607 : vector<4x256x1xf32> to vector<4x256x1xf32>
    %broadcast_in_dim3A_623 = vector.broadcast %broadcast_in_dim3A_622 : vector<4x256x1xf32> to vector<4x256x256xf32>
    %broadcast_in_dim3A_624 = vector.broadcast %jit3A_621 : f32 to vector<4x256x256xf32>
    %select_n3A_625 = arith.select %eq3A_610, %broadcast_in_dim3A_623, %broadcast_in_dim3A_624 : vector<4x256x256xi1>, vector<4x256x256xf32>
    %reduce_sum3A_626 = arith.constant dense<0.000000e+00> : vector<256x256xf32>
    %reduce_sum3A_627 = vector.multi_reduction <add>, %select_n3A_625, %reduce_sum3A_626 [0] : vector<4x256x256xf32> to vector<256x256xf32>
    %reduce_sum3A_628 = arith.constant dense<0.000000e+00> : vector<256xf32>
    %reduce_sum3A_629 = vector.multi_reduction <add>, %reduce_sum3A_627, %reduce_sum3A_628 [0] : vector<256x256xf32> to vector<256xf32>
    %broadcast_in_dim3A_630 = vector.shape_cast %reduce_sum3A_629 : vector<256xf32> to vector<1x256xf32>
    %sub3A_631 = arith.subf %broadcast_in_dim3A_630, %broadcast_in_dim3A_620 : vector<1x256xf32>
    %slice3A_632 = vector.extract_strided_slice %sub3A_631 {offsets = [0, 0], sizes = [1, 255], strides = [1, 1]} : vector<1x256xf32> to vector<1x255xf32>
    %concatenate3A_633 = tpu.concatenate %broadcast_in_dim3A_394, %slice3A_632 in 1 : vector<1x1xf32>, vector<1x255xf32> -> vector<1x256xf32>
    %add3A_634 = arith.addf %broadcast_in_dim3A_620, %concatenate3A_633 : vector<1x256xf32>
    %slice3A_635 = vector.extract_strided_slice %concatenate3A_390 {offsets = [0, 0, 9], sizes = [4, 256, 1], strides = [1, 1, 1]} : vector<4x256x32xf32> to vector<4x256x1xf32>
    %slice3A_636 = vector.extract_strided_slice %concatenate3A_389 {offsets = [0, 0, 9], sizes = [4, 256, 1], strides = [1, 1, 1]} : vector<4x256x32xf32> to vector<4x256x1xf32>
    %slice3A_637 = vector.extract_strided_slice %concatenate3A_111 {offsets = [0, 0, 9], sizes = [4, 256, 1], strides = [1, 1, 1]} : vector<4x256x32xf32> to vector<4x256x1xf32>
    %eq3A_638 = vector.broadcast %slice3A_635 : vector<4x256x1xf32> to vector<4x256x256xf32>
    %eq3A_639 = vector.broadcast %convert_element_type3A_392 : vector<1x1x256xf32> to vector<4x256x256xf32>
    %eq3A_640 = arith.cmpf oeq, %eq3A_638, %eq3A_639 : vector<4x256x256xf32>
    %jit3A_641 = arith.constant 0.000000e+00 : f32
    %broadcast_in_dim3A_642 = vector.shape_cast %slice3A_636 : vector<4x256x1xf32> to vector<4x256x1xf32>
    %broadcast_in_dim3A_643 = vector.broadcast %broadcast_in_dim3A_642 : vector<4x256x1xf32> to vector<4x256x256xf32>
    %broadcast_in_dim3A_644 = vector.broadcast %jit3A_641 : f32 to vector<4x256x256xf32>
    %select_n3A_645 = arith.select %eq3A_640, %broadcast_in_dim3A_643, %broadcast_in_dim3A_644 : vector<4x256x256xi1>, vector<4x256x256xf32>
    %reduce_sum3A_646 = arith.constant dense<0.000000e+00> : vector<256x256xf32>
    %reduce_sum3A_647 = vector.multi_reduction <add>, %select_n3A_645, %reduce_sum3A_646 [0] : vector<4x256x256xf32> to vector<256x256xf32>
    %reduce_sum3A_648 = arith.constant dense<0.000000e+00> : vector<256xf32>
    %reduce_sum3A_649 = vector.multi_reduction <add>, %reduce_sum3A_647, %reduce_sum3A_648 [0] : vector<256x256xf32> to vector<256xf32>
    %broadcast_in_dim3A_650 = vector.shape_cast %reduce_sum3A_649 : vector<256xf32> to vector<1x256xf32>
    %jit3A_651 = arith.constant 0.000000e+00 : f32
    %broadcast_in_dim3A_652 = vector.shape_cast %slice3A_637 : vector<4x256x1xf32> to vector<4x256x1xf32>
    %broadcast_in_dim3A_653 = vector.broadcast %broadcast_in_dim3A_652 : vector<4x256x1xf32> to vector<4x256x256xf32>
    %broadcast_in_dim3A_654 = vector.broadcast %jit3A_651 : f32 to vector<4x256x256xf32>
    %select_n3A_655 = arith.select %eq3A_640, %broadcast_in_dim3A_653, %broadcast_in_dim3A_654 : vector<4x256x256xi1>, vector<4x256x256xf32>
    %reduce_sum3A_656 = arith.constant dense<0.000000e+00> : vector<256x256xf32>
    %reduce_sum3A_657 = vector.multi_reduction <add>, %select_n3A_655, %reduce_sum3A_656 [0] : vector<4x256x256xf32> to vector<256x256xf32>
    %reduce_sum3A_658 = arith.constant dense<0.000000e+00> : vector<256xf32>
    %reduce_sum3A_659 = vector.multi_reduction <add>, %reduce_sum3A_657, %reduce_sum3A_658 [0] : vector<256x256xf32> to vector<256xf32>
    %broadcast_in_dim3A_660 = vector.shape_cast %reduce_sum3A_659 : vector<256xf32> to vector<1x256xf32>
    %sub3A_661 = arith.subf %broadcast_in_dim3A_660, %broadcast_in_dim3A_650 : vector<1x256xf32>
    %slice3A_662 = vector.extract_strided_slice %sub3A_661 {offsets = [0, 0], sizes = [1, 255], strides = [1, 1]} : vector<1x256xf32> to vector<1x255xf32>
    %concatenate3A_663 = tpu.concatenate %broadcast_in_dim3A_394, %slice3A_662 in 1 : vector<1x1xf32>, vector<1x255xf32> -> vector<1x256xf32>
    %add3A_664 = arith.addf %broadcast_in_dim3A_650, %concatenate3A_663 : vector<1x256xf32>
    %slice3A_665 = vector.extract_strided_slice %concatenate3A_390 {offsets = [0, 0, 10], sizes = [4, 256, 1], strides = [1, 1, 1]} : vector<4x256x32xf32> to vector<4x256x1xf32>
    %slice3A_666 = vector.extract_strided_slice %concatenate3A_389 {offsets = [0, 0, 10], sizes = [4, 256, 1], strides = [1, 1, 1]} : vector<4x256x32xf32> to vector<4x256x1xf32>
    %slice3A_667 = vector.extract_strided_slice %concatenate3A_111 {offsets = [0, 0, 10], sizes = [4, 256, 1], strides = [1, 1, 1]} : vector<4x256x32xf32> to vector<4x256x1xf32>
    %eq3A_668 = vector.broadcast %slice3A_665 : vector<4x256x1xf32> to vector<4x256x256xf32>
    %eq3A_669 = vector.broadcast %convert_element_type3A_392 : vector<1x1x256xf32> to vector<4x256x256xf32>
    %eq3A_670 = arith.cmpf oeq, %eq3A_668, %eq3A_669 : vector<4x256x256xf32>
    %jit3A_671 = arith.constant 0.000000e+00 : f32
    %broadcast_in_dim3A_672 = vector.shape_cast %slice3A_666 : vector<4x256x1xf32> to vector<4x256x1xf32>
    %broadcast_in_dim3A_673 = vector.broadcast %broadcast_in_dim3A_672 : vector<4x256x1xf32> to vector<4x256x256xf32>
    %broadcast_in_dim3A_674 = vector.broadcast %jit3A_671 : f32 to vector<4x256x256xf32>
    %select_n3A_675 = arith.select %eq3A_670, %broadcast_in_dim3A_673, %broadcast_in_dim3A_674 : vector<4x256x256xi1>, vector<4x256x256xf32>
    %reduce_sum3A_676 = arith.constant dense<0.000000e+00> : vector<256x256xf32>
    %reduce_sum3A_677 = vector.multi_reduction <add>, %select_n3A_675, %reduce_sum3A_676 [0] : vector<4x256x256xf32> to vector<256x256xf32>
    %reduce_sum3A_678 = arith.constant dense<0.000000e+00> : vector<256xf32>
    %reduce_sum3A_679 = vector.multi_reduction <add>, %reduce_sum3A_677, %reduce_sum3A_678 [0] : vector<256x256xf32> to vector<256xf32>
    %broadcast_in_dim3A_680 = vector.shape_cast %reduce_sum3A_679 : vector<256xf32> to vector<1x256xf32>
    %jit3A_681 = arith.constant 0.000000e+00 : f32
    %broadcast_in_dim3A_682 = vector.shape_cast %slice3A_667 : vector<4x256x1xf32> to vector<4x256x1xf32>
    %broadcast_in_dim3A_683 = vector.broadcast %broadcast_in_dim3A_682 : vector<4x256x1xf32> to vector<4x256x256xf32>
    %broadcast_in_dim3A_684 = vector.broadcast %jit3A_681 : f32 to vector<4x256x256xf32>
    %select_n3A_685 = arith.select %eq3A_670, %broadcast_in_dim3A_683, %broadcast_in_dim3A_684 : vector<4x256x256xi1>, vector<4x256x256xf32>
    %reduce_sum3A_686 = arith.constant dense<0.000000e+00> : vector<256x256xf32>
    %reduce_sum3A_687 = vector.multi_reduction <add>, %select_n3A_685, %reduce_sum3A_686 [0] : vector<4x256x256xf32> to vector<256x256xf32>
    %reduce_sum3A_688 = arith.constant dense<0.000000e+00> : vector<256xf32>
    %reduce_sum3A_689 = vector.multi_reduction <add>, %reduce_sum3A_687, %reduce_sum3A_688 [0] : vector<256x256xf32> to vector<256xf32>
    %broadcast_in_dim3A_690 = vector.shape_cast %reduce_sum3A_689 : vector<256xf32> to vector<1x256xf32>
    %sub3A_691 = arith.subf %broadcast_in_dim3A_690, %broadcast_in_dim3A_680 : vector<1x256xf32>
    %slice3A_692 = vector.extract_strided_slice %sub3A_691 {offsets = [0, 0], sizes = [1, 255], strides = [1, 1]} : vector<1x256xf32> to vector<1x255xf32>
    %concatenate3A_693 = tpu.concatenate %broadcast_in_dim3A_394, %slice3A_692 in 1 : vector<1x1xf32>, vector<1x255xf32> -> vector<1x256xf32>
    %add3A_694 = arith.addf %broadcast_in_dim3A_680, %concatenate3A_693 : vector<1x256xf32>
    %slice3A_695 = vector.extract_strided_slice %concatenate3A_390 {offsets = [0, 0, 11], sizes = [4, 256, 1], strides = [1, 1, 1]} : vector<4x256x32xf32> to vector<4x256x1xf32>
    %slice3A_696 = vector.extract_strided_slice %concatenate3A_389 {offsets = [0, 0, 11], sizes = [4, 256, 1], strides = [1, 1, 1]} : vector<4x256x32xf32> to vector<4x256x1xf32>
    %slice3A_697 = vector.extract_strided_slice %concatenate3A_111 {offsets = [0, 0, 11], sizes = [4, 256, 1], strides = [1, 1, 1]} : vector<4x256x32xf32> to vector<4x256x1xf32>
    %eq3A_698 = vector.broadcast %slice3A_695 : vector<4x256x1xf32> to vector<4x256x256xf32>
    %eq3A_699 = vector.broadcast %convert_element_type3A_392 : vector<1x1x256xf32> to vector<4x256x256xf32>
    %eq3A_700 = arith.cmpf oeq, %eq3A_698, %eq3A_699 : vector<4x256x256xf32>
    %jit3A_701 = arith.constant 0.000000e+00 : f32
    %broadcast_in_dim3A_702 = vector.shape_cast %slice3A_696 : vector<4x256x1xf32> to vector<4x256x1xf32>
    %broadcast_in_dim3A_703 = vector.broadcast %broadcast_in_dim3A_702 : vector<4x256x1xf32> to vector<4x256x256xf32>
    %broadcast_in_dim3A_704 = vector.broadcast %jit3A_701 : f32 to vector<4x256x256xf32>
    %select_n3A_705 = arith.select %eq3A_700, %broadcast_in_dim3A_703, %broadcast_in_dim3A_704 : vector<4x256x256xi1>, vector<4x256x256xf32>
    %reduce_sum3A_706 = arith.constant dense<0.000000e+00> : vector<256x256xf32>
    %reduce_sum3A_707 = vector.multi_reduction <add>, %select_n3A_705, %reduce_sum3A_706 [0] : vector<4x256x256xf32> to vector<256x256xf32>
    %reduce_sum3A_708 = arith.constant dense<0.000000e+00> : vector<256xf32>
    %reduce_sum3A_709 = vector.multi_reduction <add>, %reduce_sum3A_707, %reduce_sum3A_708 [0] : vector<256x256xf32> to vector<256xf32>
    %broadcast_in_dim3A_710 = vector.shape_cast %reduce_sum3A_709 : vector<256xf32> to vector<1x256xf32>
    %jit3A_711 = arith.constant 0.000000e+00 : f32
    %broadcast_in_dim3A_712 = vector.shape_cast %slice3A_697 : vector<4x256x1xf32> to vector<4x256x1xf32>
    %broadcast_in_dim3A_713 = vector.broadcast %broadcast_in_dim3A_712 : vector<4x256x1xf32> to vector<4x256x256xf32>
    %broadcast_in_dim3A_714 = vector.broadcast %jit3A_711 : f32 to vector<4x256x256xf32>
    %select_n3A_715 = arith.select %eq3A_700, %broadcast_in_dim3A_713, %broadcast_in_dim3A_714 : vector<4x256x256xi1>, vector<4x256x256xf32>
    %reduce_sum3A_716 = arith.constant dense<0.000000e+00> : vector<256x256xf32>
    %reduce_sum3A_717 = vector.multi_reduction <add>, %select_n3A_715, %reduce_sum3A_716 [0] : vector<4x256x256xf32> to vector<256x256xf32>
    %reduce_sum3A_718 = arith.constant dense<0.000000e+00> : vector<256xf32>
    %reduce_sum3A_719 = vector.multi_reduction <add>, %reduce_sum3A_717, %reduce_sum3A_718 [0] : vector<256x256xf32> to vector<256xf32>
    %broadcast_in_dim3A_720 = vector.shape_cast %reduce_sum3A_719 : vector<256xf32> to vector<1x256xf32>
    %sub3A_721 = arith.subf %broadcast_in_dim3A_720, %broadcast_in_dim3A_710 : vector<1x256xf32>
    %slice3A_722 = vector.extract_strided_slice %sub3A_721 {offsets = [0, 0], sizes = [1, 255], strides = [1, 1]} : vector<1x256xf32> to vector<1x255xf32>
    %concatenate3A_723 = tpu.concatenate %broadcast_in_dim3A_394, %slice3A_722 in 1 : vector<1x1xf32>, vector<1x255xf32> -> vector<1x256xf32>
    %add3A_724 = arith.addf %broadcast_in_dim3A_710, %concatenate3A_723 : vector<1x256xf32>
    %slice3A_725 = vector.extract_strided_slice %concatenate3A_390 {offsets = [0, 0, 12], sizes = [4, 256, 1], strides = [1, 1, 1]} : vector<4x256x32xf32> to vector<4x256x1xf32>
    %slice3A_726 = vector.extract_strided_slice %concatenate3A_389 {offsets = [0, 0, 12], sizes = [4, 256, 1], strides = [1, 1, 1]} : vector<4x256x32xf32> to vector<4x256x1xf32>
    %slice3A_727 = vector.extract_strided_slice %concatenate3A_111 {offsets = [0, 0, 12], sizes = [4, 256, 1], strides = [1, 1, 1]} : vector<4x256x32xf32> to vector<4x256x1xf32>
    %eq3A_728 = vector.broadcast %slice3A_725 : vector<4x256x1xf32> to vector<4x256x256xf32>
    %eq3A_729 = vector.broadcast %convert_element_type3A_392 : vector<1x1x256xf32> to vector<4x256x256xf32>
    %eq3A_730 = arith.cmpf oeq, %eq3A_728, %eq3A_729 : vector<4x256x256xf32>
    %jit3A_731 = arith.constant 0.000000e+00 : f32
    %broadcast_in_dim3A_732 = vector.shape_cast %slice3A_726 : vector<4x256x1xf32> to vector<4x256x1xf32>
    %broadcast_in_dim3A_733 = vector.broadcast %broadcast_in_dim3A_732 : vector<4x256x1xf32> to vector<4x256x256xf32>
    %broadcast_in_dim3A_734 = vector.broadcast %jit3A_731 : f32 to vector<4x256x256xf32>
    %select_n3A_735 = arith.select %eq3A_730, %broadcast_in_dim3A_733, %broadcast_in_dim3A_734 : vector<4x256x256xi1>, vector<4x256x256xf32>
    %reduce_sum3A_736 = arith.constant dense<0.000000e+00> : vector<256x256xf32>
    %reduce_sum3A_737 = vector.multi_reduction <add>, %select_n3A_735, %reduce_sum3A_736 [0] : vector<4x256x256xf32> to vector<256x256xf32>
    %reduce_sum3A_738 = arith.constant dense<0.000000e+00> : vector<256xf32>
    %reduce_sum3A_739 = vector.multi_reduction <add>, %reduce_sum3A_737, %reduce_sum3A_738 [0] : vector<256x256xf32> to vector<256xf32>
    %broadcast_in_dim3A_740 = vector.shape_cast %reduce_sum3A_739 : vector<256xf32> to vector<1x256xf32>
    %jit3A_741 = arith.constant 0.000000e+00 : f32
    %broadcast_in_dim3A_742 = vector.shape_cast %slice3A_727 : vector<4x256x1xf32> to vector<4x256x1xf32>
    %broadcast_in_dim3A_743 = vector.broadcast %broadcast_in_dim3A_742 : vector<4x256x1xf32> to vector<4x256x256xf32>
    %broadcast_in_dim3A_744 = vector.broadcast %jit3A_741 : f32 to vector<4x256x256xf32>
    %select_n3A_745 = arith.select %eq3A_730, %broadcast_in_dim3A_743, %broadcast_in_dim3A_744 : vector<4x256x256xi1>, vector<4x256x256xf32>
    %reduce_sum3A_746 = arith.constant dense<0.000000e+00> : vector<256x256xf32>
    %reduce_sum3A_747 = vector.multi_reduction <add>, %select_n3A_745, %reduce_sum3A_746 [0] : vector<4x256x256xf32> to vector<256x256xf32>
    %reduce_sum3A_748 = arith.constant dense<0.000000e+00> : vector<256xf32>
    %reduce_sum3A_749 = vector.multi_reduction <add>, %reduce_sum3A_747, %reduce_sum3A_748 [0] : vector<256x256xf32> to vector<256xf32>
    %broadcast_in_dim3A_750 = vector.shape_cast %reduce_sum3A_749 : vector<256xf32> to vector<1x256xf32>
    %sub3A_751 = arith.subf %broadcast_in_dim3A_750, %broadcast_in_dim3A_740 : vector<1x256xf32>
    %slice3A_752 = vector.extract_strided_slice %sub3A_751 {offsets = [0, 0], sizes = [1, 255], strides = [1, 1]} : vector<1x256xf32> to vector<1x255xf32>
    %concatenate3A_753 = tpu.concatenate %broadcast_in_dim3A_394, %slice3A_752 in 1 : vector<1x1xf32>, vector<1x255xf32> -> vector<1x256xf32>
    %add3A_754 = arith.addf %broadcast_in_dim3A_740, %concatenate3A_753 : vector<1x256xf32>
    %slice3A_755 = vector.extract_strided_slice %concatenate3A_390 {offsets = [0, 0, 13], sizes = [4, 256, 1], strides = [1, 1, 1]} : vector<4x256x32xf32> to vector<4x256x1xf32>
    %slice3A_756 = vector.extract_strided_slice %concatenate3A_389 {offsets = [0, 0, 13], sizes = [4, 256, 1], strides = [1, 1, 1]} : vector<4x256x32xf32> to vector<4x256x1xf32>
    %slice3A_757 = vector.extract_strided_slice %concatenate3A_111 {offsets = [0, 0, 13], sizes = [4, 256, 1], strides = [1, 1, 1]} : vector<4x256x32xf32> to vector<4x256x1xf32>
    %eq3A_758 = vector.broadcast %slice3A_755 : vector<4x256x1xf32> to vector<4x256x256xf32>
    %eq3A_759 = vector.broadcast %convert_element_type3A_392 : vector<1x1x256xf32> to vector<4x256x256xf32>
    %eq3A_760 = arith.cmpf oeq, %eq3A_758, %eq3A_759 : vector<4x256x256xf32>
    %jit3A_761 = arith.constant 0.000000e+00 : f32
    %broadcast_in_dim3A_762 = vector.shape_cast %slice3A_756 : vector<4x256x1xf32> to vector<4x256x1xf32>
    %broadcast_in_dim3A_763 = vector.broadcast %broadcast_in_dim3A_762 : vector<4x256x1xf32> to vector<4x256x256xf32>
    %broadcast_in_dim3A_764 = vector.broadcast %jit3A_761 : f32 to vector<4x256x256xf32>
    %select_n3A_765 = arith.select %eq3A_760, %broadcast_in_dim3A_763, %broadcast_in_dim3A_764 : vector<4x256x256xi1>, vector<4x256x256xf32>
    %reduce_sum3A_766 = arith.constant dense<0.000000e+00> : vector<256x256xf32>
    %reduce_sum3A_767 = vector.multi_reduction <add>, %select_n3A_765, %reduce_sum3A_766 [0] : vector<4x256x256xf32> to vector<256x256xf32>
    %reduce_sum3A_768 = arith.constant dense<0.000000e+00> : vector<256xf32>
    %reduce_sum3A_769 = vector.multi_reduction <add>, %reduce_sum3A_767, %reduce_sum3A_768 [0] : vector<256x256xf32> to vector<256xf32>
    %broadcast_in_dim3A_770 = vector.shape_cast %reduce_sum3A_769 : vector<256xf32> to vector<1x256xf32>
    %jit3A_771 = arith.constant 0.000000e+00 : f32
    %broadcast_in_dim3A_772 = vector.shape_cast %slice3A_757 : vector<4x256x1xf32> to vector<4x256x1xf32>
    %broadcast_in_dim3A_773 = vector.broadcast %broadcast_in_dim3A_772 : vector<4x256x1xf32> to vector<4x256x256xf32>
    %broadcast_in_dim3A_774 = vector.broadcast %jit3A_771 : f32 to vector<4x256x256xf32>
    %select_n3A_775 = arith.select %eq3A_760, %broadcast_in_dim3A_773, %broadcast_in_dim3A_774 : vector<4x256x256xi1>, vector<4x256x256xf32>
    %reduce_sum3A_776 = arith.constant dense<0.000000e+00> : vector<256x256xf32>
    %reduce_sum3A_777 = vector.multi_reduction <add>, %select_n3A_775, %reduce_sum3A_776 [0] : vector<4x256x256xf32> to vector<256x256xf32>
    %reduce_sum3A_778 = arith.constant dense<0.000000e+00> : vector<256xf32>
    %reduce_sum3A_779 = vector.multi_reduction <add>, %reduce_sum3A_777, %reduce_sum3A_778 [0] : vector<256x256xf32> to vector<256xf32>
    %broadcast_in_dim3A_780 = vector.shape_cast %reduce_sum3A_779 : vector<256xf32> to vector<1x256xf32>
    %sub3A_781 = arith.subf %broadcast_in_dim3A_780, %broadcast_in_dim3A_770 : vector<1x256xf32>
    %slice3A_782 = vector.extract_strided_slice %sub3A_781 {offsets = [0, 0], sizes = [1, 255], strides = [1, 1]} : vector<1x256xf32> to vector<1x255xf32>
    %concatenate3A_783 = tpu.concatenate %broadcast_in_dim3A_394, %slice3A_782 in 1 : vector<1x1xf32>, vector<1x255xf32> -> vector<1x256xf32>
    %add3A_784 = arith.addf %broadcast_in_dim3A_770, %concatenate3A_783 : vector<1x256xf32>
    %slice3A_785 = vector.extract_strided_slice %concatenate3A_390 {offsets = [0, 0, 14], sizes = [4, 256, 1], strides = [1, 1, 1]} : vector<4x256x32xf32> to vector<4x256x1xf32>
    %slice3A_786 = vector.extract_strided_slice %concatenate3A_389 {offsets = [0, 0, 14], sizes = [4, 256, 1], strides = [1, 1, 1]} : vector<4x256x32xf32> to vector<4x256x1xf32>
    %slice3A_787 = vector.extract_strided_slice %concatenate3A_111 {offsets = [0, 0, 14], sizes = [4, 256, 1], strides = [1, 1, 1]} : vector<4x256x32xf32> to vector<4x256x1xf32>
    %eq3A_788 = vector.broadcast %slice3A_785 : vector<4x256x1xf32> to vector<4x256x256xf32>
    %eq3A_789 = vector.broadcast %convert_element_type3A_392 : vector<1x1x256xf32> to vector<4x256x256xf32>
    %eq3A_790 = arith.cmpf oeq, %eq3A_788, %eq3A_789 : vector<4x256x256xf32>
    %jit3A_791 = arith.constant 0.000000e+00 : f32
    %broadcast_in_dim3A_792 = vector.shape_cast %slice3A_786 : vector<4x256x1xf32> to vector<4x256x1xf32>
    %broadcast_in_dim3A_793 = vector.broadcast %broadcast_in_dim3A_792 : vector<4x256x1xf32> to vector<4x256x256xf32>
    %broadcast_in_dim3A_794 = vector.broadcast %jit3A_791 : f32 to vector<4x256x256xf32>
    %select_n3A_795 = arith.select %eq3A_790, %broadcast_in_dim3A_793, %broadcast_in_dim3A_794 : vector<4x256x256xi1>, vector<4x256x256xf32>
    %reduce_sum3A_796 = arith.constant dense<0.000000e+00> : vector<256x256xf32>
    %reduce_sum3A_797 = vector.multi_reduction <add>, %select_n3A_795, %reduce_sum3A_796 [0] : vector<4x256x256xf32> to vector<256x256xf32>
    %reduce_sum3A_798 = arith.constant dense<0.000000e+00> : vector<256xf32>
    %reduce_sum3A_799 = vector.multi_reduction <add>, %reduce_sum3A_797, %reduce_sum3A_798 [0] : vector<256x256xf32> to vector<256xf32>
    %broadcast_in_dim3A_800 = vector.shape_cast %reduce_sum3A_799 : vector<256xf32> to vector<1x256xf32>
    %jit3A_801 = arith.constant 0.000000e+00 : f32
    %broadcast_in_dim3A_802 = vector.shape_cast %slice3A_787 : vector<4x256x1xf32> to vector<4x256x1xf32>
    %broadcast_in_dim3A_803 = vector.broadcast %broadcast_in_dim3A_802 : vector<4x256x1xf32> to vector<4x256x256xf32>
    %broadcast_in_dim3A_804 = vector.broadcast %jit3A_801 : f32 to vector<4x256x256xf32>
    %select_n3A_805 = arith.select %eq3A_790, %broadcast_in_dim3A_803, %broadcast_in_dim3A_804 : vector<4x256x256xi1>, vector<4x256x256xf32>
    %reduce_sum3A_806 = arith.constant dense<0.000000e+00> : vector<256x256xf32>
    %reduce_sum3A_807 = vector.multi_reduction <add>, %select_n3A_805, %reduce_sum3A_806 [0] : vector<4x256x256xf32> to vector<256x256xf32>
    %reduce_sum3A_808 = arith.constant dense<0.000000e+00> : vector<256xf32>
    %reduce_sum3A_809 = vector.multi_reduction <add>, %reduce_sum3A_807, %reduce_sum3A_808 [0] : vector<256x256xf32> to vector<256xf32>
    %broadcast_in_dim3A_810 = vector.shape_cast %reduce_sum3A_809 : vector<256xf32> to vector<1x256xf32>
    %sub3A_811 = arith.subf %broadcast_in_dim3A_810, %broadcast_in_dim3A_800 : vector<1x256xf32>
    %slice3A_812 = vector.extract_strided_slice %sub3A_811 {offsets = [0, 0], sizes = [1, 255], strides = [1, 1]} : vector<1x256xf32> to vector<1x255xf32>
    %concatenate3A_813 = tpu.concatenate %broadcast_in_dim3A_394, %slice3A_812 in 1 : vector<1x1xf32>, vector<1x255xf32> -> vector<1x256xf32>
    %add3A_814 = arith.addf %broadcast_in_dim3A_800, %concatenate3A_813 : vector<1x256xf32>
    %slice3A_815 = vector.extract_strided_slice %concatenate3A_390 {offsets = [0, 0, 15], sizes = [4, 256, 1], strides = [1, 1, 1]} : vector<4x256x32xf32> to vector<4x256x1xf32>
    %slice3A_816 = vector.extract_strided_slice %concatenate3A_389 {offsets = [0, 0, 15], sizes = [4, 256, 1], strides = [1, 1, 1]} : vector<4x256x32xf32> to vector<4x256x1xf32>
    %slice3A_817 = vector.extract_strided_slice %concatenate3A_111 {offsets = [0, 0, 15], sizes = [4, 256, 1], strides = [1, 1, 1]} : vector<4x256x32xf32> to vector<4x256x1xf32>
    %eq3A_818 = vector.broadcast %slice3A_815 : vector<4x256x1xf32> to vector<4x256x256xf32>
    %eq3A_819 = vector.broadcast %convert_element_type3A_392 : vector<1x1x256xf32> to vector<4x256x256xf32>
    %eq3A_820 = arith.cmpf oeq, %eq3A_818, %eq3A_819 : vector<4x256x256xf32>
    %jit3A_821 = arith.constant 0.000000e+00 : f32
    %broadcast_in_dim3A_822 = vector.shape_cast %slice3A_816 : vector<4x256x1xf32> to vector<4x256x1xf32>
    %broadcast_in_dim3A_823 = vector.broadcast %broadcast_in_dim3A_822 : vector<4x256x1xf32> to vector<4x256x256xf32>
    %broadcast_in_dim3A_824 = vector.broadcast %jit3A_821 : f32 to vector<4x256x256xf32>
    %select_n3A_825 = arith.select %eq3A_820, %broadcast_in_dim3A_823, %broadcast_in_dim3A_824 : vector<4x256x256xi1>, vector<4x256x256xf32>
    %reduce_sum3A_826 = arith.constant dense<0.000000e+00> : vector<256x256xf32>
    %reduce_sum3A_827 = vector.multi_reduction <add>, %select_n3A_825, %reduce_sum3A_826 [0] : vector<4x256x256xf32> to vector<256x256xf32>
    %reduce_sum3A_828 = arith.constant dense<0.000000e+00> : vector<256xf32>
    %reduce_sum3A_829 = vector.multi_reduction <add>, %reduce_sum3A_827, %reduce_sum3A_828 [0] : vector<256x256xf32> to vector<256xf32>
    %broadcast_in_dim3A_830 = vector.shape_cast %reduce_sum3A_829 : vector<256xf32> to vector<1x256xf32>
    %jit3A_831 = arith.constant 0.000000e+00 : f32
    %broadcast_in_dim3A_832 = vector.shape_cast %slice3A_817 : vector<4x256x1xf32> to vector<4x256x1xf32>
    %broadcast_in_dim3A_833 = vector.broadcast %broadcast_in_dim3A_832 : vector<4x256x1xf32> to vector<4x256x256xf32>
    %broadcast_in_dim3A_834 = vector.broadcast %jit3A_831 : f32 to vector<4x256x256xf32>
    %select_n3A_835 = arith.select %eq3A_820, %broadcast_in_dim3A_833, %broadcast_in_dim3A_834 : vector<4x256x256xi1>, vector<4x256x256xf32>
    %reduce_sum3A_836 = arith.constant dense<0.000000e+00> : vector<256x256xf32>
    %reduce_sum3A_837 = vector.multi_reduction <add>, %select_n3A_835, %reduce_sum3A_836 [0] : vector<4x256x256xf32> to vector<256x256xf32>
    %reduce_sum3A_838 = arith.constant dense<0.000000e+00> : vector<256xf32>
    %reduce_sum3A_839 = vector.multi_reduction <add>, %reduce_sum3A_837, %reduce_sum3A_838 [0] : vector<256x256xf32> to vector<256xf32>
    %broadcast_in_dim3A_840 = vector.shape_cast %reduce_sum3A_839 : vector<256xf32> to vector<1x256xf32>
    %sub3A_841 = arith.subf %broadcast_in_dim3A_840, %broadcast_in_dim3A_830 : vector<1x256xf32>
    %slice3A_842 = vector.extract_strided_slice %sub3A_841 {offsets = [0, 0], sizes = [1, 255], strides = [1, 1]} : vector<1x256xf32> to vector<1x255xf32>
    %concatenate3A_843 = tpu.concatenate %broadcast_in_dim3A_394, %slice3A_842 in 1 : vector<1x1xf32>, vector<1x255xf32> -> vector<1x256xf32>
    %add3A_844 = arith.addf %broadcast_in_dim3A_830, %concatenate3A_843 : vector<1x256xf32>
    %slice3A_845 = vector.extract_strided_slice %concatenate3A_390 {offsets = [0, 0, 16], sizes = [4, 256, 1], strides = [1, 1, 1]} : vector<4x256x32xf32> to vector<4x256x1xf32>
    %slice3A_846 = vector.extract_strided_slice %concatenate3A_389 {offsets = [0, 0, 16], sizes = [4, 256, 1], strides = [1, 1, 1]} : vector<4x256x32xf32> to vector<4x256x1xf32>
    %slice3A_847 = vector.extract_strided_slice %concatenate3A_111 {offsets = [0, 0, 16], sizes = [4, 256, 1], strides = [1, 1, 1]} : vector<4x256x32xf32> to vector<4x256x1xf32>
    %eq3A_848 = vector.broadcast %slice3A_845 : vector<4x256x1xf32> to vector<4x256x256xf32>
    %eq3A_849 = vector.broadcast %convert_element_type3A_392 : vector<1x1x256xf32> to vector<4x256x256xf32>
    %eq3A_850 = arith.cmpf oeq, %eq3A_848, %eq3A_849 : vector<4x256x256xf32>
    %jit3A_851 = arith.constant 0.000000e+00 : f32
    %broadcast_in_dim3A_852 = vector.shape_cast %slice3A_846 : vector<4x256x1xf32> to vector<4x256x1xf32>
    %broadcast_in_dim3A_853 = vector.broadcast %broadcast_in_dim3A_852 : vector<4x256x1xf32> to vector<4x256x256xf32>
    %broadcast_in_dim3A_854 = vector.broadcast %jit3A_851 : f32 to vector<4x256x256xf32>
    %select_n3A_855 = arith.select %eq3A_850, %broadcast_in_dim3A_853, %broadcast_in_dim3A_854 : vector<4x256x256xi1>, vector<4x256x256xf32>
    %reduce_sum3A_856 = arith.constant dense<0.000000e+00> : vector<256x256xf32>
    %reduce_sum3A_857 = vector.multi_reduction <add>, %select_n3A_855, %reduce_sum3A_856 [0] : vector<4x256x256xf32> to vector<256x256xf32>
    %reduce_sum3A_858 = arith.constant dense<0.000000e+00> : vector<256xf32>
    %reduce_sum3A_859 = vector.multi_reduction <add>, %reduce_sum3A_857, %reduce_sum3A_858 [0] : vector<256x256xf32> to vector<256xf32>
    %broadcast_in_dim3A_860 = vector.shape_cast %reduce_sum3A_859 : vector<256xf32> to vector<1x256xf32>
    %jit3A_861 = arith.constant 0.000000e+00 : f32
    %broadcast_in_dim3A_862 = vector.shape_cast %slice3A_847 : vector<4x256x1xf32> to vector<4x256x1xf32>
    %broadcast_in_dim3A_863 = vector.broadcast %broadcast_in_dim3A_862 : vector<4x256x1xf32> to vector<4x256x256xf32>
    %broadcast_in_dim3A_864 = vector.broadcast %jit3A_861 : f32 to vector<4x256x256xf32>
    %select_n3A_865 = arith.select %eq3A_850, %broadcast_in_dim3A_863, %broadcast_in_dim3A_864 : vector<4x256x256xi1>, vector<4x256x256xf32>
    %reduce_sum3A_866 = arith.constant dense<0.000000e+00> : vector<256x256xf32>
    %reduce_sum3A_867 = vector.multi_reduction <add>, %select_n3A_865, %reduce_sum3A_866 [0] : vector<4x256x256xf32> to vector<256x256xf32>
    %reduce_sum3A_868 = arith.constant dense<0.000000e+00> : vector<256xf32>
    %reduce_sum3A_869 = vector.multi_reduction <add>, %reduce_sum3A_867, %reduce_sum3A_868 [0] : vector<256x256xf32> to vector<256xf32>
    %broadcast_in_dim3A_870 = vector.shape_cast %reduce_sum3A_869 : vector<256xf32> to vector<1x256xf32>
    %sub3A_871 = arith.subf %broadcast_in_dim3A_870, %broadcast_in_dim3A_860 : vector<1x256xf32>
    %slice3A_872 = vector.extract_strided_slice %sub3A_871 {offsets = [0, 0], sizes = [1, 255], strides = [1, 1]} : vector<1x256xf32> to vector<1x255xf32>
    %concatenate3A_873 = tpu.concatenate %broadcast_in_dim3A_394, %slice3A_872 in 1 : vector<1x1xf32>, vector<1x255xf32> -> vector<1x256xf32>
    %add3A_874 = arith.addf %broadcast_in_dim3A_860, %concatenate3A_873 : vector<1x256xf32>
    %slice3A_875 = vector.extract_strided_slice %concatenate3A_390 {offsets = [0, 0, 17], sizes = [4, 256, 1], strides = [1, 1, 1]} : vector<4x256x32xf32> to vector<4x256x1xf32>
    %slice3A_876 = vector.extract_strided_slice %concatenate3A_389 {offsets = [0, 0, 17], sizes = [4, 256, 1], strides = [1, 1, 1]} : vector<4x256x32xf32> to vector<4x256x1xf32>
    %slice3A_877 = vector.extract_strided_slice %concatenate3A_111 {offsets = [0, 0, 17], sizes = [4, 256, 1], strides = [1, 1, 1]} : vector<4x256x32xf32> to vector<4x256x1xf32>
    %eq3A_878 = vector.broadcast %slice3A_875 : vector<4x256x1xf32> to vector<4x256x256xf32>
    %eq3A_879 = vector.broadcast %convert_element_type3A_392 : vector<1x1x256xf32> to vector<4x256x256xf32>
    %eq3A_880 = arith.cmpf oeq, %eq3A_878, %eq3A_879 : vector<4x256x256xf32>
    %jit3A_881 = arith.constant 0.000000e+00 : f32
    %broadcast_in_dim3A_882 = vector.shape_cast %slice3A_876 : vector<4x256x1xf32> to vector<4x256x1xf32>
    %broadcast_in_dim3A_883 = vector.broadcast %broadcast_in_dim3A_882 : vector<4x256x1xf32> to vector<4x256x256xf32>
    %broadcast_in_dim3A_884 = vector.broadcast %jit3A_881 : f32 to vector<4x256x256xf32>
    %select_n3A_885 = arith.select %eq3A_880, %broadcast_in_dim3A_883, %broadcast_in_dim3A_884 : vector<4x256x256xi1>, vector<4x256x256xf32>
    %reduce_sum3A_886 = arith.constant dense<0.000000e+00> : vector<256x256xf32>
    %reduce_sum3A_887 = vector.multi_reduction <add>, %select_n3A_885, %reduce_sum3A_886 [0] : vector<4x256x256xf32> to vector<256x256xf32>
    %reduce_sum3A_888 = arith.constant dense<0.000000e+00> : vector<256xf32>
    %reduce_sum3A_889 = vector.multi_reduction <add>, %reduce_sum3A_887, %reduce_sum3A_888 [0] : vector<256x256xf32> to vector<256xf32>
    %broadcast_in_dim3A_890 = vector.shape_cast %reduce_sum3A_889 : vector<256xf32> to vector<1x256xf32>
    %jit3A_891 = arith.constant 0.000000e+00 : f32
    %broadcast_in_dim3A_892 = vector.shape_cast %slice3A_877 : vector<4x256x1xf32> to vector<4x256x1xf32>
    %broadcast_in_dim3A_893 = vector.broadcast %broadcast_in_dim3A_892 : vector<4x256x1xf32> to vector<4x256x256xf32>
    %broadcast_in_dim3A_894 = vector.broadcast %jit3A_891 : f32 to vector<4x256x256xf32>
    %select_n3A_895 = arith.select %eq3A_880, %broadcast_in_dim3A_893, %broadcast_in_dim3A_894 : vector<4x256x256xi1>, vector<4x256x256xf32>
    %reduce_sum3A_896 = arith.constant dense<0.000000e+00> : vector<256x256xf32>
    %reduce_sum3A_897 = vector.multi_reduction <add>, %select_n3A_895, %reduce_sum3A_896 [0] : vector<4x256x256xf32> to vector<256x256xf32>
    %reduce_sum3A_898 = arith.constant dense<0.000000e+00> : vector<256xf32>
    %reduce_sum3A_899 = vector.multi_reduction <add>, %reduce_sum3A_897, %reduce_sum3A_898 [0] : vector<256x256xf32> to vector<256xf32>
    %broadcast_in_dim3A_900 = vector.shape_cast %reduce_sum3A_899 : vector<256xf32> to vector<1x256xf32>
    %sub3A_901 = arith.subf %broadcast_in_dim3A_900, %broadcast_in_dim3A_890 : vector<1x256xf32>
    %slice3A_902 = vector.extract_strided_slice %sub3A_901 {offsets = [0, 0], sizes = [1, 255], strides = [1, 1]} : vector<1x256xf32> to vector<1x255xf32>
    %concatenate3A_903 = tpu.concatenate %broadcast_in_dim3A_394, %slice3A_902 in 1 : vector<1x1xf32>, vector<1x255xf32> -> vector<1x256xf32>
    %add3A_904 = arith.addf %broadcast_in_dim3A_890, %concatenate3A_903 : vector<1x256xf32>
    %slice3A_905 = vector.extract_strided_slice %concatenate3A_390 {offsets = [0, 0, 18], sizes = [4, 256, 1], strides = [1, 1, 1]} : vector<4x256x32xf32> to vector<4x256x1xf32>
    %slice3A_906 = vector.extract_strided_slice %concatenate3A_389 {offsets = [0, 0, 18], sizes = [4, 256, 1], strides = [1, 1, 1]} : vector<4x256x32xf32> to vector<4x256x1xf32>
    %slice3A_907 = vector.extract_strided_slice %concatenate3A_111 {offsets = [0, 0, 18], sizes = [4, 256, 1], strides = [1, 1, 1]} : vector<4x256x32xf32> to vector<4x256x1xf32>
    %eq3A_908 = vector.broadcast %slice3A_905 : vector<4x256x1xf32> to vector<4x256x256xf32>
    %eq3A_909 = vector.broadcast %convert_element_type3A_392 : vector<1x1x256xf32> to vector<4x256x256xf32>
    %eq3A_910 = arith.cmpf oeq, %eq3A_908, %eq3A_909 : vector<4x256x256xf32>
    %jit3A_911 = arith.constant 0.000000e+00 : f32
    %broadcast_in_dim3A_912 = vector.shape_cast %slice3A_906 : vector<4x256x1xf32> to vector<4x256x1xf32>
    %broadcast_in_dim3A_913 = vector.broadcast %broadcast_in_dim3A_912 : vector<4x256x1xf32> to vector<4x256x256xf32>
    %broadcast_in_dim3A_914 = vector.broadcast %jit3A_911 : f32 to vector<4x256x256xf32>
    %select_n3A_915 = arith.select %eq3A_910, %broadcast_in_dim3A_913, %broadcast_in_dim3A_914 : vector<4x256x256xi1>, vector<4x256x256xf32>
    %reduce_sum3A_916 = arith.constant dense<0.000000e+00> : vector<256x256xf32>
    %reduce_sum3A_917 = vector.multi_reduction <add>, %select_n3A_915, %reduce_sum3A_916 [0] : vector<4x256x256xf32> to vector<256x256xf32>
    %reduce_sum3A_918 = arith.constant dense<0.000000e+00> : vector<256xf32>
    %reduce_sum3A_919 = vector.multi_reduction <add>, %reduce_sum3A_917, %reduce_sum3A_918 [0] : vector<256x256xf32> to vector<256xf32>
    %broadcast_in_dim3A_920 = vector.shape_cast %reduce_sum3A_919 : vector<256xf32> to vector<1x256xf32>
    %jit3A_921 = arith.constant 0.000000e+00 : f32
    %broadcast_in_dim3A_922 = vector.shape_cast %slice3A_907 : vector<4x256x1xf32> to vector<4x256x1xf32>
    %broadcast_in_dim3A_923 = vector.broadcast %broadcast_in_dim3A_922 : vector<4x256x1xf32> to vector<4x256x256xf32>
    %broadcast_in_dim3A_924 = vector.broadcast %jit3A_921 : f32 to vector<4x256x256xf32>
    %select_n3A_925 = arith.select %eq3A_910, %broadcast_in_dim3A_923, %broadcast_in_dim3A_924 : vector<4x256x256xi1>, vector<4x256x256xf32>
    %reduce_sum3A_926 = arith.constant dense<0.000000e+00> : vector<256x256xf32>
    %reduce_sum3A_927 = vector.multi_reduction <add>, %select_n3A_925, %reduce_sum3A_926 [0] : vector<4x256x256xf32> to vector<256x256xf32>
    %reduce_sum3A_928 = arith.constant dense<0.000000e+00> : vector<256xf32>
    %reduce_sum3A_929 = vector.multi_reduction <add>, %reduce_sum3A_927, %reduce_sum3A_928 [0] : vector<256x256xf32> to vector<256xf32>
    %broadcast_in_dim3A_930 = vector.shape_cast %reduce_sum3A_929 : vector<256xf32> to vector<1x256xf32>
    %sub3A_931 = arith.subf %broadcast_in_dim3A_930, %broadcast_in_dim3A_920 : vector<1x256xf32>
    %slice3A_932 = vector.extract_strided_slice %sub3A_931 {offsets = [0, 0], sizes = [1, 255], strides = [1, 1]} : vector<1x256xf32> to vector<1x255xf32>
    %concatenate3A_933 = tpu.concatenate %broadcast_in_dim3A_394, %slice3A_932 in 1 : vector<1x1xf32>, vector<1x255xf32> -> vector<1x256xf32>
    %add3A_934 = arith.addf %broadcast_in_dim3A_920, %concatenate3A_933 : vector<1x256xf32>
    %slice3A_935 = vector.extract_strided_slice %concatenate3A_390 {offsets = [0, 0, 19], sizes = [4, 256, 1], strides = [1, 1, 1]} : vector<4x256x32xf32> to vector<4x256x1xf32>
    %slice3A_936 = vector.extract_strided_slice %concatenate3A_389 {offsets = [0, 0, 19], sizes = [4, 256, 1], strides = [1, 1, 1]} : vector<4x256x32xf32> to vector<4x256x1xf32>
    %slice3A_937 = vector.extract_strided_slice %concatenate3A_111 {offsets = [0, 0, 19], sizes = [4, 256, 1], strides = [1, 1, 1]} : vector<4x256x32xf32> to vector<4x256x1xf32>
    %eq3A_938 = vector.broadcast %slice3A_935 : vector<4x256x1xf32> to vector<4x256x256xf32>
    %eq3A_939 = vector.broadcast %convert_element_type3A_392 : vector<1x1x256xf32> to vector<4x256x256xf32>
    %eq3A_940 = arith.cmpf oeq, %eq3A_938, %eq3A_939 : vector<4x256x256xf32>
    %jit3A_941 = arith.constant 0.000000e+00 : f32
    %broadcast_in_dim3A_942 = vector.shape_cast %slice3A_936 : vector<4x256x1xf32> to vector<4x256x1xf32>
    %broadcast_in_dim3A_943 = vector.broadcast %broadcast_in_dim3A_942 : vector<4x256x1xf32> to vector<4x256x256xf32>
    %broadcast_in_dim3A_944 = vector.broadcast %jit3A_941 : f32 to vector<4x256x256xf32>
    %select_n3A_945 = arith.select %eq3A_940, %broadcast_in_dim3A_943, %broadcast_in_dim3A_944 : vector<4x256x256xi1>, vector<4x256x256xf32>
    %reduce_sum3A_946 = arith.constant dense<0.000000e+00> : vector<256x256xf32>
    %reduce_sum3A_947 = vector.multi_reduction <add>, %select_n3A_945, %reduce_sum3A_946 [0] : vector<4x256x256xf32> to vector<256x256xf32>
    %reduce_sum3A_948 = arith.constant dense<0.000000e+00> : vector<256xf32>
    %reduce_sum3A_949 = vector.multi_reduction <add>, %reduce_sum3A_947, %reduce_sum3A_948 [0] : vector<256x256xf32> to vector<256xf32>
    %broadcast_in_dim3A_950 = vector.shape_cast %reduce_sum3A_949 : vector<256xf32> to vector<1x256xf32>
    %jit3A_951 = arith.constant 0.000000e+00 : f32
    %broadcast_in_dim3A_952 = vector.shape_cast %slice3A_937 : vector<4x256x1xf32> to vector<4x256x1xf32>
    %broadcast_in_dim3A_953 = vector.broadcast %broadcast_in_dim3A_952 : vector<4x256x1xf32> to vector<4x256x256xf32>
    %broadcast_in_dim3A_954 = vector.broadcast %jit3A_951 : f32 to vector<4x256x256xf32>
    %select_n3A_955 = arith.select %eq3A_940, %broadcast_in_dim3A_953, %broadcast_in_dim3A_954 : vector<4x256x256xi1>, vector<4x256x256xf32>
    %reduce_sum3A_956 = arith.constant dense<0.000000e+00> : vector<256x256xf32>
    %reduce_sum3A_957 = vector.multi_reduction <add>, %select_n3A_955, %reduce_sum3A_956 [0] : vector<4x256x256xf32> to vector<256x256xf32>
    %reduce_sum3A_958 = arith.constant dense<0.000000e+00> : vector<256xf32>
    %reduce_sum3A_959 = vector.multi_reduction <add>, %reduce_sum3A_957, %reduce_sum3A_958 [0] : vector<256x256xf32> to vector<256xf32>
    %broadcast_in_dim3A_960 = vector.shape_cast %reduce_sum3A_959 : vector<256xf32> to vector<1x256xf32>
    %sub3A_961 = arith.subf %broadcast_in_dim3A_960, %broadcast_in_dim3A_950 : vector<1x256xf32>
    %slice3A_962 = vector.extract_strided_slice %sub3A_961 {offsets = [0, 0], sizes = [1, 255], strides = [1, 1]} : vector<1x256xf32> to vector<1x255xf32>
    %concatenate3A_963 = tpu.concatenate %broadcast_in_dim3A_394, %slice3A_962 in 1 : vector<1x1xf32>, vector<1x255xf32> -> vector<1x256xf32>
    %add3A_964 = arith.addf %broadcast_in_dim3A_950, %concatenate3A_963 : vector<1x256xf32>
    %slice3A_965 = vector.extract_strided_slice %concatenate3A_390 {offsets = [0, 0, 20], sizes = [4, 256, 1], strides = [1, 1, 1]} : vector<4x256x32xf32> to vector<4x256x1xf32>
    %slice3A_966 = vector.extract_strided_slice %concatenate3A_389 {offsets = [0, 0, 20], sizes = [4, 256, 1], strides = [1, 1, 1]} : vector<4x256x32xf32> to vector<4x256x1xf32>
    %slice3A_967 = vector.extract_strided_slice %concatenate3A_111 {offsets = [0, 0, 20], sizes = [4, 256, 1], strides = [1, 1, 1]} : vector<4x256x32xf32> to vector<4x256x1xf32>
    %eq3A_968 = vector.broadcast %slice3A_965 : vector<4x256x1xf32> to vector<4x256x256xf32>
    %eq3A_969 = vector.broadcast %convert_element_type3A_392 : vector<1x1x256xf32> to vector<4x256x256xf32>
    %eq3A_970 = arith.cmpf oeq, %eq3A_968, %eq3A_969 : vector<4x256x256xf32>
    %jit3A_971 = arith.constant 0.000000e+00 : f32
    %broadcast_in_dim3A_972 = vector.shape_cast %slice3A_966 : vector<4x256x1xf32> to vector<4x256x1xf32>
    %broadcast_in_dim3A_973 = vector.broadcast %broadcast_in_dim3A_972 : vector<4x256x1xf32> to vector<4x256x256xf32>
    %broadcast_in_dim3A_974 = vector.broadcast %jit3A_971 : f32 to vector<4x256x256xf32>
    %select_n3A_975 = arith.select %eq3A_970, %broadcast_in_dim3A_973, %broadcast_in_dim3A_974 : vector<4x256x256xi1>, vector<4x256x256xf32>
    %reduce_sum3A_976 = arith.constant dense<0.000000e+00> : vector<256x256xf32>
    %reduce_sum3A_977 = vector.multi_reduction <add>, %select_n3A_975, %reduce_sum3A_976 [0] : vector<4x256x256xf32> to vector<256x256xf32>
    %reduce_sum3A_978 = arith.constant dense<0.000000e+00> : vector<256xf32>
    %reduce_sum3A_979 = vector.multi_reduction <add>, %reduce_sum3A_977, %reduce_sum3A_978 [0] : vector<256x256xf32> to vector<256xf32>
    %broadcast_in_dim3A_980 = vector.shape_cast %reduce_sum3A_979 : vector<256xf32> to vector<1x256xf32>
    %jit3A_981 = arith.constant 0.000000e+00 : f32
    %broadcast_in_dim3A_982 = vector.shape_cast %slice3A_967 : vector<4x256x1xf32> to vector<4x256x1xf32>
    %broadcast_in_dim3A_983 = vector.broadcast %broadcast_in_dim3A_982 : vector<4x256x1xf32> to vector<4x256x256xf32>
    %broadcast_in_dim3A_984 = vector.broadcast %jit3A_981 : f32 to vector<4x256x256xf32>
    %select_n3A_985 = arith.select %eq3A_970, %broadcast_in_dim3A_983, %broadcast_in_dim3A_984 : vector<4x256x256xi1>, vector<4x256x256xf32>
    %reduce_sum3A_986 = arith.constant dense<0.000000e+00> : vector<256x256xf32>
    %reduce_sum3A_987 = vector.multi_reduction <add>, %select_n3A_985, %reduce_sum3A_986 [0] : vector<4x256x256xf32> to vector<256x256xf32>
    %reduce_sum3A_988 = arith.constant dense<0.000000e+00> : vector<256xf32>
    %reduce_sum3A_989 = vector.multi_reduction <add>, %reduce_sum3A_987, %reduce_sum3A_988 [0] : vector<256x256xf32> to vector<256xf32>
    %broadcast_in_dim3A_990 = vector.shape_cast %reduce_sum3A_989 : vector<256xf32> to vector<1x256xf32>
    %sub3A_991 = arith.subf %broadcast_in_dim3A_990, %broadcast_in_dim3A_980 : vector<1x256xf32>
    %slice3A_992 = vector.extract_strided_slice %sub3A_991 {offsets = [0, 0], sizes = [1, 255], strides = [1, 1]} : vector<1x256xf32> to vector<1x255xf32>
    %concatenate3A_993 = tpu.concatenate %broadcast_in_dim3A_394, %slice3A_992 in 1 : vector<1x1xf32>, vector<1x255xf32> -> vector<1x256xf32>
    %add3A_994 = arith.addf %broadcast_in_dim3A_980, %concatenate3A_993 : vector<1x256xf32>
    %concatenate3A_995 = tpu.concatenate %add3A_424, %add3A_454, %add3A_484, %add3A_514, %add3A_544, %add3A_574, %add3A_604, %add3A_634, %add3A_664, %add3A_694, %add3A_724, %add3A_754, %add3A_784, %add3A_814, %add3A_844, %add3A_874, %add3A_904, %add3A_934, %add3A_964, %add3A_994 in 0 : vector<1x256xf32>, vector<1x256xf32>, vector<1x256xf32>, vector<1x256xf32>, vector<1x256xf32>, vector<1x256xf32>, vector<1x256xf32>, vector<1x256xf32>, vector<1x256xf32>, vector<1x256xf32>, vector<1x256xf32>, vector<1x256xf32>, vector<1x256xf32>, vector<1x256xf32>, vector<1x256xf32>, vector<1x256xf32>, vector<1x256xf32>, vector<1x256xf32>, vector<1x256xf32>, vector<1x256xf32> -> vector<20x256xf32>
    %iota3A_996 = tpu.iota {dimensions = array<i32: 1>} : vector<1x32xi32>
    %iota3A_997 = tpu.iota {dimensions = array<i32: 0>} : vector<20x1xi32>
    %add3A_998 = arith.constant 1 : i32
    %add3A_999 = vector.broadcast %add3A_998 : i32 to vector<20x1xi32>
    %add3A_1000 = arith.addi %iota3A_997, %add3A_999 : vector<20x1xi32>
    %eq3A_1001 = vector.broadcast %add3A_1000 : vector<20x1xi32> to vector<20x32xi32>
    %eq3A_1002 = vector.broadcast %iota3A_996 : vector<1x32xi32> to vector<20x32xi32>
    %eq3A_1003 = arith.cmpi eq, %eq3A_1001, %eq3A_1002 : vector<20x32xi32>
    %convert_element_type3A_1004 = arith.extui %eq3A_1003 : vector<20x32xi1> to vector<20x32xi32>
    %convert_element_type3A_1005 = arith.sitofp %convert_element_type3A_1004 : vector<20x32xi32> to vector<20x32xf32>
    %mul3A_1006 = vector.broadcast %add3A_135 : vector<1x32xf32> to vector<20x32xf32>
    %mul3A_1007 = arith.mulf %mul3A_1006, %convert_element_type3A_1005 : vector<20x32xf32>
    %reduce_sum3A_1008 = arith.constant dense<0.000000e+00> : vector<20xf32>
    %reduce_sum3A_1009 = vector.multi_reduction <add>, %mul3A_1007, %reduce_sum3A_1008 [1] : vector<20x32xf32> to vector<20xf32>
    %broadcast_in_dim3A_1010 = vector.shape_cast %reduce_sum3A_1009 : vector<20xf32> to vector<20x1xf32>
    %add3A_1011 = arith.constant 1 : i32
    %add3A_1012 = vector.broadcast %add3A_1011 : i32 to vector<20x1xi32>
    %add3A_1013 = arith.addi %iota3A_997, %add3A_1012 : vector<20x1xi32>
    %eq3A_1014 = vector.broadcast %add3A_1013 : vector<20x1xi32> to vector<20x32xi32>
    %eq3A_1015 = vector.broadcast %iota3A_996 : vector<1x32xi32> to vector<20x32xi32>
    %eq3A_1016 = arith.cmpi eq, %eq3A_1014, %eq3A_1015 : vector<20x32xi32>
    %convert_element_type3A_1017 = arith.extui %eq3A_1016 : vector<20x32xi1> to vector<20x32xi32>
    %convert_element_type3A_1018 = arith.sitofp %convert_element_type3A_1017 : vector<20x32xi32> to vector<20x32xf32>
    %mul3A_1019 = vector.broadcast %broadcast_in_dim3A_122 : vector<1x32xf32> to vector<20x32xf32>
    %mul3A_1020 = arith.mulf %mul3A_1019, %convert_element_type3A_1018 : vector<20x32xf32>
    %reduce_sum3A_1021 = arith.constant dense<0.000000e+00> : vector<20xf32>
    %reduce_sum3A_1022 = vector.multi_reduction <add>, %mul3A_1020, %reduce_sum3A_1021 [1] : vector<20x32xf32> to vector<20xf32>
    %broadcast_in_dim3A_1023 = vector.shape_cast %reduce_sum3A_1022 : vector<20xf32> to vector<20x1xf32>
    %max3A_1024 = arith.constant 1.000000e+00 : f32
    %max3A_1025 = vector.broadcast %max3A_1024 : f32 to vector<20x1xf32>
    %max3A_1026 = arith.maximumf %broadcast_in_dim3A_1010, %max3A_1025 : vector<20x1xf32>
    %gt3A_1027 = arith.constant 0.000000e+00 : f32
    %gt3A_1028 = vector.broadcast %gt3A_1027 : f32 to vector<20x1xf32>
    %gt3A_1029 = arith.cmpf ogt, %broadcast_in_dim3A_1010, %gt3A_1028 : vector<20x1xf32>
    %slice3A_1030 = vector.extract_strided_slice %add3A_135 {offsets = [0, 1], sizes = [1, 20], strides = [1, 1]} : vector<1x32xf32> to vector<1x20xf32>
    %gt3A_1031 = arith.constant 0.000000e+00 : f32
    %gt3A_1032 = vector.broadcast %gt3A_1031 : f32 to vector<1x20xf32>
    %gt3A_1033 = arith.cmpf ogt, %slice3A_1030, %gt3A_1032 : vector<1x20xf32>
    %convert_element_type3A_1034 = arith.extui %gt3A_1029 : vector<20x1xi1> to vector<20x1xi32>
    %convert_element_type3A_1035 = arith.sitofp %convert_element_type3A_1034 : vector<20x1xi32> to vector<20x1xf32>
    %reduce_sum3A_1036 = arith.constant dense<0.000000e+00> : vector<1xf32>
    %reduce_sum3A_1037 = vector.multi_reduction <add>, %convert_element_type3A_1035, %reduce_sum3A_1036 [0] : vector<20x1xf32> to vector<1xf32>
    %broadcast_in_dim3A_1038 = vector.shape_cast %reduce_sum3A_1037 : vector<1xf32> to vector<1x1xf32>
    %max3A_1039 = arith.constant 1.000000e+00 : f32
    %max3A_1040 = vector.broadcast %max3A_1039 : f32 to vector<1x1xf32>
    %max3A_1041 = arith.maximumf %broadcast_in_dim3A_1038, %max3A_1040 : vector<1x1xf32>
    %slice3A_1042 = vector.extract_strided_slice %get3A_8 {offsets = [1, 0], sizes = [20, 256], strides = [1, 1]} : vector<21x256xf32> to vector<20x256xf32>
    %mul3A_1043 = arith.mulf %slice3A_1042, %concatenate3A_995 : vector<20x256xf32>
    %reduce_sum3A_1044 = arith.constant dense<0.000000e+00> : vector<20xf32>
    %reduce_sum3A_1045 = vector.multi_reduction <add>, %mul3A_1043, %reduce_sum3A_1044 [1] : vector<20x256xf32> to vector<20xf32>
    %broadcast_in_dim3A_1046 = vector.shape_cast %reduce_sum3A_1045 : vector<20xf32> to vector<20x1xf32>
    %mul3A_1047 = arith.mulf %slice3A_1042, %slice3A_1042 : vector<20x256xf32>
    %reduce_sum3A_1048 = arith.constant dense<0.000000e+00> : vector<20xf32>
    %reduce_sum3A_1049 = vector.multi_reduction <add>, %mul3A_1047, %reduce_sum3A_1048 [1] : vector<20x256xf32> to vector<20xf32>
    %broadcast_in_dim3A_1050 = vector.shape_cast %reduce_sum3A_1049 : vector<20xf32> to vector<20x1xf32>
    %mul3A_1051 = arith.constant 2.000000e+00 : f32
    %mul3A_1052 = vector.broadcast %mul3A_1051 : f32 to vector<20x1xf32>
    %mul3A_1053 = arith.mulf %mul3A_1052, %broadcast_in_dim3A_1046 : vector<20x1xf32>
    %sub3A_1054 = arith.subf %broadcast_in_dim3A_1023, %mul3A_1053 : vector<20x1xf32>
    %mul3A_1055 = arith.mulf %max3A_1026, %broadcast_in_dim3A_1050 : vector<20x1xf32>
    %add3A_1056 = arith.addf %sub3A_1054, %mul3A_1055 : vector<20x1xf32>
    %mul3A_1057 = arith.constant 2.560000e+02 : f32
    %mul3A_1058 = vector.broadcast %mul3A_1057 : f32 to vector<20x1xf32>
    %mul3A_1059 = arith.mulf %mul3A_1058, %max3A_1026 : vector<20x1xf32>
    %div3A_1060 = arith.divf %add3A_1056, %mul3A_1059 : vector<20x1xf32>
    %broadcast_in_dim3A_1061 = arith.constant 0.000000e+00 : f32
    %broadcast_in_dim3A_1062 = vector.broadcast %broadcast_in_dim3A_1061 : f32 to vector<1x1xf32>
    %slice3A_1063 = vector.extract_strided_slice %gt3A_1029 {offsets = [0, 0], sizes = [1, 1], strides = [1, 1]} : vector<20x1xi1> to vector<1x1xi1>
    %slice3A_1064 = vector.extract_strided_slice %div3A_1060 {offsets = [0, 0], sizes = [1, 1], strides = [1, 1]} : vector<20x1xf32> to vector<1x1xf32>
    %add3A_1065 = arith.addf %broadcast_in_dim3A_1062, %slice3A_1064 : vector<1x1xf32>
    %div3A_1066 = arith.divf %add3A_1065, %max3A_1041 : vector<1x1xf32>
    %select_n3A_1067 = arith.select %slice3A_1063, %div3A_1066, %broadcast_in_dim3A_1062 : vector<1x1xi1>, vector<1x1xf32>
    %slice3A_1068 = vector.extract_strided_slice %gt3A_1029 {offsets = [1, 0], sizes = [1, 1], strides = [1, 1]} : vector<20x1xi1> to vector<1x1xi1>
    %slice3A_1069 = vector.extract_strided_slice %div3A_1060 {offsets = [1, 0], sizes = [1, 1], strides = [1, 1]} : vector<20x1xf32> to vector<1x1xf32>
    %add3A_1070 = arith.addf %select_n3A_1067, %slice3A_1069 : vector<1x1xf32>
    %div3A_1071 = arith.divf %add3A_1070, %max3A_1041 : vector<1x1xf32>
    %select_n3A_1072 = arith.select %slice3A_1068, %div3A_1071, %select_n3A_1067 : vector<1x1xi1>, vector<1x1xf32>
    %slice3A_1073 = vector.extract_strided_slice %gt3A_1029 {offsets = [2, 0], sizes = [1, 1], strides = [1, 1]} : vector<20x1xi1> to vector<1x1xi1>
    %slice3A_1074 = vector.extract_strided_slice %div3A_1060 {offsets = [2, 0], sizes = [1, 1], strides = [1, 1]} : vector<20x1xf32> to vector<1x1xf32>
    %add3A_1075 = arith.addf %select_n3A_1072, %slice3A_1074 : vector<1x1xf32>
    %div3A_1076 = arith.divf %add3A_1075, %max3A_1041 : vector<1x1xf32>
    %select_n3A_1077 = arith.select %slice3A_1073, %div3A_1076, %select_n3A_1072 : vector<1x1xi1>, vector<1x1xf32>
    %slice3A_1078 = vector.extract_strided_slice %gt3A_1029 {offsets = [3, 0], sizes = [1, 1], strides = [1, 1]} : vector<20x1xi1> to vector<1x1xi1>
    %slice3A_1079 = vector.extract_strided_slice %div3A_1060 {offsets = [3, 0], sizes = [1, 1], strides = [1, 1]} : vector<20x1xf32> to vector<1x1xf32>
    %add3A_1080 = arith.addf %select_n3A_1077, %slice3A_1079 : vector<1x1xf32>
    %div3A_1081 = arith.divf %add3A_1080, %max3A_1041 : vector<1x1xf32>
    %select_n3A_1082 = arith.select %slice3A_1078, %div3A_1081, %select_n3A_1077 : vector<1x1xi1>, vector<1x1xf32>
    %slice3A_1083 = vector.extract_strided_slice %gt3A_1029 {offsets = [4, 0], sizes = [1, 1], strides = [1, 1]} : vector<20x1xi1> to vector<1x1xi1>
    %slice3A_1084 = vector.extract_strided_slice %div3A_1060 {offsets = [4, 0], sizes = [1, 1], strides = [1, 1]} : vector<20x1xf32> to vector<1x1xf32>
    %add3A_1085 = arith.addf %select_n3A_1082, %slice3A_1084 : vector<1x1xf32>
    %div3A_1086 = arith.divf %add3A_1085, %max3A_1041 : vector<1x1xf32>
    %select_n3A_1087 = arith.select %slice3A_1083, %div3A_1086, %select_n3A_1082 : vector<1x1xi1>, vector<1x1xf32>
    %slice3A_1088 = vector.extract_strided_slice %gt3A_1029 {offsets = [5, 0], sizes = [1, 1], strides = [1, 1]} : vector<20x1xi1> to vector<1x1xi1>
    %slice3A_1089 = vector.extract_strided_slice %div3A_1060 {offsets = [5, 0], sizes = [1, 1], strides = [1, 1]} : vector<20x1xf32> to vector<1x1xf32>
    %add3A_1090 = arith.addf %select_n3A_1087, %slice3A_1089 : vector<1x1xf32>
    %div3A_1091 = arith.divf %add3A_1090, %max3A_1041 : vector<1x1xf32>
    %select_n3A_1092 = arith.select %slice3A_1088, %div3A_1091, %select_n3A_1087 : vector<1x1xi1>, vector<1x1xf32>
    %slice3A_1093 = vector.extract_strided_slice %gt3A_1029 {offsets = [6, 0], sizes = [1, 1], strides = [1, 1]} : vector<20x1xi1> to vector<1x1xi1>
    %slice3A_1094 = vector.extract_strided_slice %div3A_1060 {offsets = [6, 0], sizes = [1, 1], strides = [1, 1]} : vector<20x1xf32> to vector<1x1xf32>
    %add3A_1095 = arith.addf %select_n3A_1092, %slice3A_1094 : vector<1x1xf32>
    %div3A_1096 = arith.divf %add3A_1095, %max3A_1041 : vector<1x1xf32>
    %select_n3A_1097 = arith.select %slice3A_1093, %div3A_1096, %select_n3A_1092 : vector<1x1xi1>, vector<1x1xf32>
    %slice3A_1098 = vector.extract_strided_slice %gt3A_1029 {offsets = [7, 0], sizes = [1, 1], strides = [1, 1]} : vector<20x1xi1> to vector<1x1xi1>
    %slice3A_1099 = vector.extract_strided_slice %div3A_1060 {offsets = [7, 0], sizes = [1, 1], strides = [1, 1]} : vector<20x1xf32> to vector<1x1xf32>
    %add3A_1100 = arith.addf %select_n3A_1097, %slice3A_1099 : vector<1x1xf32>
    %div3A_1101 = arith.divf %add3A_1100, %max3A_1041 : vector<1x1xf32>
    %select_n3A_1102 = arith.select %slice3A_1098, %div3A_1101, %select_n3A_1097 : vector<1x1xi1>, vector<1x1xf32>
    %slice3A_1103 = vector.extract_strided_slice %gt3A_1029 {offsets = [8, 0], sizes = [1, 1], strides = [1, 1]} : vector<20x1xi1> to vector<1x1xi1>
    %slice3A_1104 = vector.extract_strided_slice %div3A_1060 {offsets = [8, 0], sizes = [1, 1], strides = [1, 1]} : vector<20x1xf32> to vector<1x1xf32>
    %add3A_1105 = arith.addf %select_n3A_1102, %slice3A_1104 : vector<1x1xf32>
    %div3A_1106 = arith.divf %add3A_1105, %max3A_1041 : vector<1x1xf32>
    %select_n3A_1107 = arith.select %slice3A_1103, %div3A_1106, %select_n3A_1102 : vector<1x1xi1>, vector<1x1xf32>
    %slice3A_1108 = vector.extract_strided_slice %gt3A_1029 {offsets = [9, 0], sizes = [1, 1], strides = [1, 1]} : vector<20x1xi1> to vector<1x1xi1>
    %slice3A_1109 = vector.extract_strided_slice %div3A_1060 {offsets = [9, 0], sizes = [1, 1], strides = [1, 1]} : vector<20x1xf32> to vector<1x1xf32>
    %add3A_1110 = arith.addf %select_n3A_1107, %slice3A_1109 : vector<1x1xf32>
    %div3A_1111 = arith.divf %add3A_1110, %max3A_1041 : vector<1x1xf32>
    %select_n3A_1112 = arith.select %slice3A_1108, %div3A_1111, %select_n3A_1107 : vector<1x1xi1>, vector<1x1xf32>
    %slice3A_1113 = vector.extract_strided_slice %gt3A_1029 {offsets = [10, 0], sizes = [1, 1], strides = [1, 1]} : vector<20x1xi1> to vector<1x1xi1>
    %slice3A_1114 = vector.extract_strided_slice %div3A_1060 {offsets = [10, 0], sizes = [1, 1], strides = [1, 1]} : vector<20x1xf32> to vector<1x1xf32>
    %add3A_1115 = arith.addf %select_n3A_1112, %slice3A_1114 : vector<1x1xf32>
    %div3A_1116 = arith.divf %add3A_1115, %max3A_1041 : vector<1x1xf32>
    %select_n3A_1117 = arith.select %slice3A_1113, %div3A_1116, %select_n3A_1112 : vector<1x1xi1>, vector<1x1xf32>
    %slice3A_1118 = vector.extract_strided_slice %gt3A_1029 {offsets = [11, 0], sizes = [1, 1], strides = [1, 1]} : vector<20x1xi1> to vector<1x1xi1>
    %slice3A_1119 = vector.extract_strided_slice %div3A_1060 {offsets = [11, 0], sizes = [1, 1], strides = [1, 1]} : vector<20x1xf32> to vector<1x1xf32>
    %add3A_1120 = arith.addf %select_n3A_1117, %slice3A_1119 : vector<1x1xf32>
    %div3A_1121 = arith.divf %add3A_1120, %max3A_1041 : vector<1x1xf32>
    %select_n3A_1122 = arith.select %slice3A_1118, %div3A_1121, %select_n3A_1117 : vector<1x1xi1>, vector<1x1xf32>
    %slice3A_1123 = vector.extract_strided_slice %gt3A_1029 {offsets = [12, 0], sizes = [1, 1], strides = [1, 1]} : vector<20x1xi1> to vector<1x1xi1>
    %slice3A_1124 = vector.extract_strided_slice %div3A_1060 {offsets = [12, 0], sizes = [1, 1], strides = [1, 1]} : vector<20x1xf32> to vector<1x1xf32>
    %add3A_1125 = arith.addf %select_n3A_1122, %slice3A_1124 : vector<1x1xf32>
    %div3A_1126 = arith.divf %add3A_1125, %max3A_1041 : vector<1x1xf32>
    %select_n3A_1127 = arith.select %slice3A_1123, %div3A_1126, %select_n3A_1122 : vector<1x1xi1>, vector<1x1xf32>
    %slice3A_1128 = vector.extract_strided_slice %gt3A_1029 {offsets = [13, 0], sizes = [1, 1], strides = [1, 1]} : vector<20x1xi1> to vector<1x1xi1>
    %slice3A_1129 = vector.extract_strided_slice %div3A_1060 {offsets = [13, 0], sizes = [1, 1], strides = [1, 1]} : vector<20x1xf32> to vector<1x1xf32>
    %add3A_1130 = arith.addf %select_n3A_1127, %slice3A_1129 : vector<1x1xf32>
    %div3A_1131 = arith.divf %add3A_1130, %max3A_1041 : vector<1x1xf32>
    %select_n3A_1132 = arith.select %slice3A_1128, %div3A_1131, %select_n3A_1127 : vector<1x1xi1>, vector<1x1xf32>
    %slice3A_1133 = vector.extract_strided_slice %gt3A_1029 {offsets = [14, 0], sizes = [1, 1], strides = [1, 1]} : vector<20x1xi1> to vector<1x1xi1>
    %slice3A_1134 = vector.extract_strided_slice %div3A_1060 {offsets = [14, 0], sizes = [1, 1], strides = [1, 1]} : vector<20x1xf32> to vector<1x1xf32>
    %add3A_1135 = arith.addf %select_n3A_1132, %slice3A_1134 : vector<1x1xf32>
    %div3A_1136 = arith.divf %add3A_1135, %max3A_1041 : vector<1x1xf32>
    %select_n3A_1137 = arith.select %slice3A_1133, %div3A_1136, %select_n3A_1132 : vector<1x1xi1>, vector<1x1xf32>
    %slice3A_1138 = vector.extract_strided_slice %gt3A_1029 {offsets = [15, 0], sizes = [1, 1], strides = [1, 1]} : vector<20x1xi1> to vector<1x1xi1>
    %slice3A_1139 = vector.extract_strided_slice %div3A_1060 {offsets = [15, 0], sizes = [1, 1], strides = [1, 1]} : vector<20x1xf32> to vector<1x1xf32>
    %add3A_1140 = arith.addf %select_n3A_1137, %slice3A_1139 : vector<1x1xf32>
    %div3A_1141 = arith.divf %add3A_1140, %max3A_1041 : vector<1x1xf32>
    %select_n3A_1142 = arith.select %slice3A_1138, %div3A_1141, %select_n3A_1137 : vector<1x1xi1>, vector<1x1xf32>
    %slice3A_1143 = vector.extract_strided_slice %gt3A_1029 {offsets = [16, 0], sizes = [1, 1], strides = [1, 1]} : vector<20x1xi1> to vector<1x1xi1>
    %slice3A_1144 = vector.extract_strided_slice %div3A_1060 {offsets = [16, 0], sizes = [1, 1], strides = [1, 1]} : vector<20x1xf32> to vector<1x1xf32>
    %add3A_1145 = arith.addf %select_n3A_1142, %slice3A_1144 : vector<1x1xf32>
    %div3A_1146 = arith.divf %add3A_1145, %max3A_1041 : vector<1x1xf32>
    %select_n3A_1147 = arith.select %slice3A_1143, %div3A_1146, %select_n3A_1142 : vector<1x1xi1>, vector<1x1xf32>
    %slice3A_1148 = vector.extract_strided_slice %gt3A_1029 {offsets = [17, 0], sizes = [1, 1], strides = [1, 1]} : vector<20x1xi1> to vector<1x1xi1>
    %slice3A_1149 = vector.extract_strided_slice %div3A_1060 {offsets = [17, 0], sizes = [1, 1], strides = [1, 1]} : vector<20x1xf32> to vector<1x1xf32>
    %add3A_1150 = arith.addf %select_n3A_1147, %slice3A_1149 : vector<1x1xf32>
    %div3A_1151 = arith.divf %add3A_1150, %max3A_1041 : vector<1x1xf32>
    %select_n3A_1152 = arith.select %slice3A_1148, %div3A_1151, %select_n3A_1147 : vector<1x1xi1>, vector<1x1xf32>
    %slice3A_1153 = vector.extract_strided_slice %gt3A_1029 {offsets = [18, 0], sizes = [1, 1], strides = [1, 1]} : vector<20x1xi1> to vector<1x1xi1>
    %slice3A_1154 = vector.extract_strided_slice %div3A_1060 {offsets = [18, 0], sizes = [1, 1], strides = [1, 1]} : vector<20x1xf32> to vector<1x1xf32>
    %add3A_1155 = arith.addf %select_n3A_1152, %slice3A_1154 : vector<1x1xf32>
    %div3A_1156 = arith.divf %add3A_1155, %max3A_1041 : vector<1x1xf32>
    %select_n3A_1157 = arith.select %slice3A_1153, %div3A_1156, %select_n3A_1152 : vector<1x1xi1>, vector<1x1xf32>
    %slice3A_1158 = vector.extract_strided_slice %gt3A_1029 {offsets = [19, 0], sizes = [1, 1], strides = [1, 1]} : vector<20x1xi1> to vector<1x1xi1>
    %slice3A_1159 = vector.extract_strided_slice %div3A_1060 {offsets = [19, 0], sizes = [1, 1], strides = [1, 1]} : vector<20x1xf32> to vector<1x1xf32>
    %add3A_1160 = arith.addf %select_n3A_1157, %slice3A_1159 : vector<1x1xf32>
    %div3A_1161 = arith.divf %add3A_1160, %max3A_1041 : vector<1x1xf32>
    %select_n3A_1162 = arith.select %slice3A_1158, %div3A_1161, %select_n3A_1157 : vector<1x1xi1>, vector<1x1xf32>
    %div3A_1163 = vector.broadcast %max3A_1026 : vector<20x1xf32> to vector<20x256xf32>
    %div3A_1164 = arith.divf %concatenate3A_995, %div3A_1163 : vector<20x256xf32>
    %jit3A_1165 = arith.constant 0.000000e+00 : f32
    %broadcast_in_dim3A_1166 = vector.shape_cast %gt3A_1029 : vector<20x1xi1> to vector<20x1xi1>
    %broadcast_in_dim3A_1167 = vector.broadcast %broadcast_in_dim3A_1166 : vector<20x1xi1> to vector<20x256xi1>
    %broadcast_in_dim3A_1168 = vector.broadcast %jit3A_1165 : f32 to vector<20x256xf32>
    %select_n3A_1169 = arith.select %broadcast_in_dim3A_1167, %div3A_1164, %broadcast_in_dim3A_1168 : vector<20x256xi1>, vector<20x256xf32>
    %dot_general3A_1170 = arith.constant dense<0.000000e+00> : vector<20x20xf32>
    %dot_general3A_1171 = tpu.matmul %select_n3A_1169, %select_n3A_1169, %dot_general3A_1170 {dimension_numbers = #tpu.dot_dimension_numbers<[1], [1], [0], [0], [0, 0, 1, 0], [], []>, precision = #tpu.contract_precision<fp32>, transpose_lhs_hint = false} : vector<20x256xf32>, vector<20x256xf32>, vector<20x20xf32> -> vector<20x20xf32>
    %iota3A_1172 = tpu.iota {dimensions = array<i32: 0>} : vector<20x20xi32>
    %iota3A_1173 = tpu.iota {dimensions = array<i32: 1>} : vector<20x20xi32>
    %eq3A_1174 = arith.cmpi eq, %iota3A_1172, %iota3A_1173 : vector<20x20xi32>
    %convert_element_type3A_1175 = arith.extui %eq3A_1174 : vector<20x20xi1> to vector<20x20xi32>
    %convert_element_type3A_1176 = arith.sitofp %convert_element_type3A_1175 : vector<20x20xi32> to vector<20x20xf32>
    %mul3A_1177 = arith.mulf %dot_general3A_1171, %convert_element_type3A_1176 : vector<20x20xf32>
    %reduce_sum3A_1178 = arith.constant dense<0.000000e+00> : vector<20xf32>
    %reduce_sum3A_1179 = vector.multi_reduction <add>, %mul3A_1177, %reduce_sum3A_1178 [1] : vector<20x20xf32> to vector<20xf32>
    %broadcast_in_dim3A_1180 = vector.shape_cast %reduce_sum3A_1179 : vector<20xf32> to vector<20x1xf32>
    %mul3A_1181 = arith.mulf %dot_general3A_1171, %convert_element_type3A_1176 : vector<20x20xf32>
    %reduce_sum3A_1182 = arith.constant dense<0.000000e+00> : vector<20xf32>
    %reduce_sum3A_1183 = vector.multi_reduction <add>, %mul3A_1181, %reduce_sum3A_1182 [0] : vector<20x20xf32> to vector<20xf32>
    %broadcast_in_dim3A_1184 = vector.shape_cast %reduce_sum3A_1183 : vector<20xf32> to vector<1x20xf32>
    %add3A_1185 = vector.broadcast %broadcast_in_dim3A_1180 : vector<20x1xf32> to vector<20x20xf32>
    %add3A_1186 = vector.broadcast %broadcast_in_dim3A_1184 : vector<1x20xf32> to vector<20x20xf32>
    %add3A_1187 = arith.addf %add3A_1185, %add3A_1186 : vector<20x20xf32>
    %mul3A_1188 = arith.constant 2.000000e+00 : f32
    %mul3A_1189 = vector.broadcast %mul3A_1188 : f32 to vector<20x20xf32>
    %mul3A_1190 = arith.mulf %mul3A_1189, %dot_general3A_1171 : vector<20x20xf32>
    %sub3A_1191 = arith.subf %add3A_1187, %mul3A_1190 : vector<20x20xf32>
    %and3A = vector.broadcast %gt3A_1029 : vector<20x1xi1> to vector<20x20xi1>
    %and3A_1192 = vector.broadcast %gt3A_1033 : vector<1x20xi1> to vector<20x20xi1>
    %and3A_1193 = arith.andi %and3A, %and3A_1192 : vector<20x20xi1>
    %not3A = arith.constant dense<true> : vector<20x20xi1>
    %not3A_1194 = arith.xori %eq3A_1174, %not3A : vector<20x20xi1>
    %and3A_1195 = arith.andi %and3A_1193, %not3A_1194 : vector<20x20xi1>
    %jit3A_1196 = arith.constant 1.000000e+00 : f32
    %broadcast_in_dim3A_1197 = vector.broadcast %jit3A_1196 : f32 to vector<20x20xf32>
    %select_n3A_1198 = arith.select %and3A_1195, %sub3A_1191, %broadcast_in_dim3A_1197 : vector<20x20xi1>, vector<20x20xf32>
    %sqrt3A = math.sqrt %select_n3A_1198 : vector<20x20xf32>
    %div3A_1199 = arith.constant 1.000000e+00 : f32
    %div3A_1200 = vector.broadcast %div3A_1199 : f32 to vector<20x20xf32>
    %div3A_1201 = arith.divf %div3A_1200, %sqrt3A : vector<20x20xf32>
    %convert_element_type3A_1202 = arith.extui %and3A_1195 : vector<20x20xi1> to vector<20x20xi32>
    %convert_element_type3A_1203 = arith.sitofp %convert_element_type3A_1202 : vector<20x20xi32> to vector<20x20xf32>
    %reduce_sum3A_1204 = arith.constant dense<0.000000e+00> : vector<20xf32>
    %reduce_sum3A_1205 = vector.multi_reduction <add>, %convert_element_type3A_1203, %reduce_sum3A_1204 [1] : vector<20x20xf32> to vector<20xf32>
    %broadcast_in_dim3A_1206 = vector.shape_cast %reduce_sum3A_1205 : vector<20xf32> to vector<20x1xf32>
    %reduce_sum3A_1207 = arith.constant dense<0.000000e+00> : vector<1xf32>
    %reduce_sum3A_1208 = vector.multi_reduction <add>, %broadcast_in_dim3A_1206, %reduce_sum3A_1207 [0] : vector<20x1xf32> to vector<1xf32>
    %broadcast_in_dim3A_1209 = vector.shape_cast %reduce_sum3A_1208 : vector<1xf32> to vector<1x1xf32>
    %mul3A_1210 = arith.mulf %div3A_1201, %convert_element_type3A_1203 : vector<20x20xf32>
    %reduce_sum3A_1211 = arith.constant dense<0.000000e+00> : vector<20xf32>
    %reduce_sum3A_1212 = vector.multi_reduction <add>, %mul3A_1210, %reduce_sum3A_1211 [1] : vector<20x20xf32> to vector<20xf32>
    %broadcast_in_dim3A_1213 = vector.shape_cast %reduce_sum3A_1212 : vector<20xf32> to vector<20x1xf32>
    %reduce_sum3A_1214 = arith.constant dense<0.000000e+00> : vector<1xf32>
    %reduce_sum3A_1215 = vector.multi_reduction <add>, %broadcast_in_dim3A_1213, %reduce_sum3A_1214 [0] : vector<20x1xf32> to vector<1xf32>
    %broadcast_in_dim3A_1216 = vector.shape_cast %reduce_sum3A_1215 : vector<1xf32> to vector<1x1xf32>
    %max3A_1217 = arith.constant 1.000000e+00 : f32
    %max3A_1218 = vector.broadcast %max3A_1217 : f32 to vector<1x1xf32>
    %max3A_1219 = arith.maximumf %broadcast_in_dim3A_1209, %max3A_1218 : vector<1x1xf32>
    %div3A_1220 = arith.divf %broadcast_in_dim3A_1216, %max3A_1219 : vector<1x1xf32>
    %ne3A = arith.cmpf one, %div3A_1220, %div3A_1220 : vector<1x1xf32>
    %jit3A_1221 = arith.constant 0.000000e+00 : f32
    %broadcast_in_dim3A_1222 = vector.broadcast %jit3A_1221 : f32 to vector<1x1xf32>
    %select_n3A_1223 = arith.select %ne3A, %broadcast_in_dim3A_1222, %div3A_1220 : vector<1x1xi1>, vector<1x1xf32>
    %gt3A_1224 = arith.constant 1.000000e+00 : f32
    %gt3A_1225 = vector.broadcast %gt3A_1224 : f32 to vector<1x1xf32>
    %gt3A_1226 = arith.cmpf ogt, %broadcast_in_dim3A_1038, %gt3A_1225 : vector<1x1xf32>
    %broadcast_in_dim3A_1227 = arith.constant 0.000000e+00 : f32
    %broadcast_in_dim3A_1228 = vector.broadcast %broadcast_in_dim3A_1227 : f32 to vector<1x1xf32>
    %select_n3A_1229 = arith.select %gt3A_1226, %select_n3A_1223, %broadcast_in_dim3A_1228 : vector<1x1xi1>, vector<1x1xf32>
    %add3A_1230 = arith.addf %select_n3A_1162, %select_n3A_1229 : vector<1x1xf32>
    %swap3A = arith.constant 0 : index
    %swap3A_1231 = arith.constant 0 : index
    %swap3A_1232 = vector.load %arg3[%swap3A, %swap3A_1231] : memref<1x1xf32, #tpu.memory_space<vmem>>, vector<1x1xf32>
    tpu.vector_store %arg3[%swap3A, %swap3A_1231], %add3A_1230 {strides = array<i32>} : memref<1x1xf32, #tpu.memory_space<vmem>>, vector<1x1xf32>,
    return
  }
}

</mosaic_0001>

<sc_bundles>
// kernel: kernel.4.cloned.1.call-start
scs
__scs_entry_jumppad:
0x0: {  	(pc) =	sbr.rel $0x88, $3  }
0x1: {  	(tag) =	ssettag $0x0;
	lr =	simm.s32 $0x1  }
0x2: {  	[smem:$0x3F9E] =	sst lr;
	_ =	strace $0xD0000000  }
0x3: {  	_ = 	snop  }
0x4: {  	_ = 	snop  }
0x5: {  	_ = 	snop  }
0x6: {  	_ = 	snop  }
0x7: {  	_ = 	snop  }
__scs_overlays_trampoline_lowered:
0x8: {  	[smem:$0x3FAD] =	sst s0  }
0x9: {  	[smem:$0x3FAE] =	sst s1  }
0xa: {  	[smem:$0x3FAF] =	sst s2  }
0xb: {  	[smem:$0x3FB0] =	sst s3  }
0xc: {  	[smem:$0x3FB1] =	sst s4  }
0xd: {  	[smem:$0x3FB2] =	sst s5  }
0xe: {  	[smem:$0x3FB3] =	sst s6  }
0xf: {  	[smem:$0x3FB4] =	sst s7  }
0x10: {  	[smem:$0x3FB5] =	sst s8  }
0x11: {  	[smem:$0x3FB6] =	sst s9;
	s0 =	simm.s32 @!p0 $0x0  }
0x12: {  	s1 =	sld [smem:$0x3F9C];
	s0 =	simm.s32 @p0 $0x1  }
0x13: {  	[smem:$0x3FB7] =	sst s0;
	s0 =	simm.s32 @!p1 $0x0  }
0x14: {  	s2 =	sld [smem:$0x3F9B];
	s0 =	simm.s32 @p1 $0x1  }
0x15: {  	[smem:$0x3FB8] =	sst s0;
	s0 =	simm.s32 @!p2 $0x0  }
0x16: {  	s3 =	sld [smem:$0x3FDB];
	s0 =	simm.s32 @p2 $0x1  }
0x17: {  	s4 =	simm.s32 $0x1BF5;
	[smem:$0x3FBA] =	sst s0  }
0x18: {  	s0 =	sld [smem:$0x3F9D];
	_ =	swait.ge [sflag:s4], $0x0  }
0x19: {  	s7 =	sld [smem:$0x3F9E]  }
0x1a: {  	s8 =	sadd.s32 $0xFFFFE003, lr  }
0x1b: {  	s9 =	sadd.s32 $0xFFFFFEF7, lr;
	s5 =	simm.s32 $0xFFFFFFFF;
	p2 =	slt.u32 s8, $0xFFFFF086  }
0x1c: {  	p1 =	slt.u32 s9, $0xF7A;
	s5 =	simm.s32 @!p2 $0x0  }
0x1d: {  	s5 =	simm.s32 @p1 $0x1;
	p0 =	seq.s32 s7, s2  }
0x1e: {  	s7 =	smul.u32 @!p0 $0xF7A, s2;
	p2 =	seq.s32 @!p0 s5, $0x0  }
0x1f: {  	s9 =	smul.u32 $0xF7A, s1;
	s8 =	simm.s32 @!p0 $0x1BF5;
	p2 =	por !p2, p0  }
0x20: {  	[sflag:s8] =	ssyncset.s32 @!p0 $0xFFFFF086;
	s6 =	sadd.s32 @!p0 s3, s7;
	s7 =	simm.s32 @!p0 $0x108  }
0x21: {  	s3 =	sadd.s32 s3, s9;
	s6 =	sadd.s32 @!p0 $0x88, s6;
	s7 =	simm.s32 @p2 $0x1082  }
0x22: {  	[simem:s7], [sflag:s8] =	dma.local @!p0 [hbm:s6], $0xF7A  }
0x23: {  	s9 =	sor.u32 $0xD0000000, s2;
	s6 =	simm.s32 $0x108;
	_ =	swait.ge @!p0 [sflag:s8], $0x0  }
0x24: {  	s3 =	sadd.s32 $0x88, s3;
	s6 =	simm.s32 @!p1 $0x1082;
	[sflag:s4] =	ssyncset.s32 $0xFFFFF086  }
0x25: {  	[simem:s6], [sflag:s4] =	dma.local [hbm:s3], $0xF7A  }
0x26: {  	[smem:$0x3F9E] =	sst s1;
	(tag) =	ssettag s2;
	_ =	strace s9  }
0x27: {  	s1 =	sld [smem:$0x3FAE]  }
0x28: {  	s2 =	sld [smem:$0x3FAF]  }
0x29: {  	s4 =	sld [smem:$0x3FB1]  }
0x2a: {  	p0 =	seq.s32 s5, $0x0;
	s5 =	sld [smem:$0x3FB2]  }
0x2b: {  	s6 =	sld [smem:$0x3FB3]  }
0x2c: {  	s7 =	sld [smem:$0x3FB4]  }
0x2d: {  	s3 =	simm.s32 $0x108;
	s8 =	sld [smem:$0x3FB5]  }
0x2e: {  	s3 =	simm.s32 @!p0 $0x1082;
	s9 =	sld [smem:$0x3FB6]  }
0x2f: {  	lr =	sadd.s32 s0, s3;
	s0 =	sld [smem:$0x3FAD]  }
0x30: {  	s3 =	sld [smem:$0x3FB0]  }
0x31: {  	[smem:$0x3FB9] =	sst s10  }
0x32: {  	s10 =	sld [smem:$0x3FB7];
	_ =	sdelay $0x3  }
0x33: {  	p0 =	seq.s32 s10, $0x1;
	s10 =	sld [smem:$0x3FB9];
	_ =	sdelay $0x3  }
0x34: {  	[smem:$0x3FB9] =	sst s10  }
0x35: {  	s10 =	sld [smem:$0x3FB8];
	_ =	sdelay $0x3  }
0x36: {  	p1 =	seq.s32 s10, $0x1;
	s10 =	sld [smem:$0x3FB9];
	_ =	sdelay $0x3  }
0x37: {  	[smem:$0x3FB9] =	sst s10  }
0x38: {  	s10 =	sld [smem:$0x3FBA]  }
0x39: {  	_ = 	snop;
	(pc) =	sbr.ind lr, $3  }
0x3a: {  	_ = 	snop  }
0x3b: {  	_ = 	snop  }
0x3c: {  	p2 =	seq.s32 s10, $0x1;
	s10 =	sld [smem:$0x3FB9]  }
0x3d: {  	_ =	shalt  }
0x3e: {  	_ =	shalt  }
0x3f: {  	_ =	shalt  }
0x40: {  	_ =	shalt  }
0x41: {  	_ =	shalt  }
0x42: {  	_ =	shalt  }
0x43: {  	_ =	shalt  }
0x44: {  	_ =	shalt  }
0x45: {  	_ =	shalt  }
0x46: {  	_ =	shalt  }
0x47: {  	_ =	shalt  }
0x48: {  	_ =	shalt  }
0x49: {  	_ =	shalt  }
0x4a: {  	_ =	shalt  }
0x4b: {  	_ =	shalt  }
0x4c: {  	_ =	shalt  }
0x4d: {  	_ =	shalt  }
0x4e: {  	_ =	shalt  }
0x4f: {  	_ =	shalt  }
0x50: {  	_ =	shalt  }
0x51: {  	_ =	shalt  }
0x52: {  	_ =	shalt  }
0x53: {  	_ =	shalt  }
0x54: {  	_ =	shalt  }
0x55: {  	_ =	shalt  }
0x56: {  	_ =	shalt  }
0x57: {  	_ =	shalt  }
0x58: {  	_ =	shalt  }
0x59: {  	_ =	shalt  }
0x5a: {  	_ =	shalt  }
0x5b: {  	_ =	shalt  }
0x5c: {  	_ =	shalt  }
0x5d: {  	_ =	shalt  }
0x5e: {  	_ =	shalt  }
0x5f: {  	_ =	shalt  }
0x60: {  	_ =	shalt  }
0x61: {  	_ =	shalt  }
0x62: {  	_ =	shalt  }
0x63: {  	_ =	shalt  }
0x64: {  	_ =	shalt  }
0x65: {  	_ =	shalt  }
0x66: {  	_ =	shalt  }
0x67: {  	_ =	shalt  }
0x68: {  	_ =	shalt  }
0x69: {  	_ =	shalt  }
0x6a: {  	_ =	shalt  }
0x6b: {  	_ =	shalt  }
0x6c: {  	_ =	shalt  }
0x6d: {  	_ =	shalt  }
0x6e: {  	_ =	shalt  }
0x6f: {  	_ =	shalt  }
0x70: {  	_ =	shalt  }
0x71: {  	_ =	shalt  }
0x72: {  	_ =	shalt  }
0x73: {  	_ =	shalt  }
0x74: {  	_ =	shalt  }
0x75: {  	_ =	shalt  }
0x76: {  	_ =	shalt  }
0x77: {  	_ =	shalt  }
0x78: {  	_ =	shalt  }
0x79: {  	_ =	shalt  }
0x7a: {  	_ =	shalt  }
0x7b: {  	_ =	shalt  }
0x7c: {  	_ =	shalt  }
0x7d: {  	_ =	shalt  }
0x7e: {  	_ =	shalt  }
0x7f: {  	_ =	shalt  }
0x80: {  	_ =	shalt  }
0x81: {  	_ =	shalt  }
0x82: {  	_ =	shalt  }
0x83: {  	_ =	shalt  }
0x84: {  	_ =	shalt  }
0x85: {  	_ =	shalt  }
0x86: {  	_ =	shalt  }
0x87: {  	_ =	shalt  }
.Lfunc_end0:
.L_simem_size_0:
called_computation_lowered:
.L_overlay_start_0:
0x88: {  	s2 =	sld [smem:$0x3FD9]  }
0x89: {  	s3 =	sld [smem:$0x3FFE];
	_ =	sdelay $0x1  }
0x8a: {  	s1 =	srdreg.scid  }
0x8b: {  	s0 =	sand.u32 $0x1, s1  }
0x8c: {  	s16 =	sshll.u32 s0, $0xA;
	s2 =	sadd.s32 s3, s2  }
0x8d: {  	s2 =	sadd.s32 s2, s16  }
0x8e: {  	[smem:$0x3FC5] =	sst s2  }
0x8f: {  	_ = 	snop  }
0x90: {  	(tm) =	ssettm $0x1  }
0x91: {  	s17 =	sld [smem:$0x3FFB];
	_ =	sdelay $0x3  }
0x92: {  	_ =	strace s17  }
0x93: {  	s2 =	sld [smem:$0x3FFC];
	_ =	sdelay $0x3  }
0x94: {  	_ =	strace s2  }
0x95: {  	s2 =	sld [smem:$0x3FFD];
	_ =	sdelay $0x3  }
0x96: {  	_ =	strace s2  }
0x97: {  	_ =	strace $0x8FFFFFFF  }
0x98: {  	s18 =	sld [smem:$0x3FDB];
	_ =	sdelay $0x1  }
0x99: {  	s19 =	simm.s32 $_scs_section_size  }
0x9a: {  	s4 =	simm.s32 $_size__tile_overlayer_lowered;
	s5 =	simm.s32 $_tile_overlayer_lowered  }
0x9b: {  	s22 =	simm.s32 $0x1BFF;
	s21 =	sshll.u32 s5, $0x1;
	s2 =	sadd.s32 s19, s18  }
0x9c: {  	s6 =	simm.s32 $0x0;
	s20 =	sshll.u32 s4, $0x1;
	s4 =	sadd.s32 s21, s2  }
0x9d: {  	[timem:s6], [sflag:s22] =	dma.local [hbm:s4], s20  }
0x9e: {  	_ =	swait.ge [sflag:s22], s20  }
0x9f: {  	s3 =	ssub.s32 $0x0, s20;
	[sflag:s22] =	ssyncset.done $0x0  }
0xa0: {  	[sflag:s22] =	ssyncadd.s32 s3;
	_ =	sdelay $0x1  }
0xa1: {  	s23 =	simm.s32 $0x1B8B  }
0xa2: {  	_ =	swait.ge [sflag:s23], $0x1  }
0xa3: {  	[sflag:s23] =	ssyncset.done $0x0  }
0xa4: {  	s25 =	simm.s32 $0x1B8E;
	s24 =	sld [smem:$0x3FFE];
	[sflag:s23] =	ssyncadd.s32 $0xFFFFFFFF  }
0xa5: {  	s26 =	simm.s32 $execute0_lowered;
	[smem:$0x3FD2] =	sst s25  }
0xa6: {  	s4 =	sshll.u32 s26, $0x1;
	_ =	strace $0x80000046;
	[dreg:$0x1] =	wrdreg $0xFFFFFFFF  }
0xa7: {  	s28 =	simm.s32 $_size_execute0_lowered;
	s2 =	sadd.s32 s2, s4;
	[dreg:$0x0] =	wrdreg $0x0  }
0xa8: {  	s4 =	sshll.u32 s28, $0x1;
	[dreg:$0x2] =	wrdreg s2  }
0xa9: {  	[dreg:$0x3] =	wrdreg s4  }
0xaa: {  	[dreg:$0x4] =	wrdreg $0xC0  }
0xab: {  	_ =	task [dreg:s6], $0x5FFFF  }
0xac: {  	[dreg:$0x1] =	wrdreg $0xFFFFFFFF  }
0xad: {  	[dreg:$0x0] =	wrdreg $0x60  }
0xae: {  	[dreg:$0x2] =	wrdreg s24  }
0xaf: {  	[dreg:$0x3] =	wrdreg $0x9  }
0xb0: {  	_ =	task.clear_ibuf [dreg:s6], $0x4FFFF;
	_ =	strace $0x90000046  }
0xb1: {  	s29 =	simm.s32 $0x9;
	_ =	strace $0x80000048  }
0xb2: {  	_ =	swait.ge [sflag:s29], $0x1  }
0xb3: {  	[sflag:s29] =	ssyncadd.s32 $0xFFFFFFFF  }
0xb4: {  	_ =	strace $0x90000048  }
0xb5: {  	_ =	sfence  }
0xb6: {  	s30 =	sld [smem:$0x0];
	_ =	sdelay $0x2  }
0xb7: {  	s31 =	sshll.u32 s1, $0xD;
	s1 =	sshrl.u32 s1, $0x2  }
0xb8: {  	s3 =	sand.u32 $0x4000, s31;
	s1 =	sadd.s32 s1, s30  }
0xb9: {  	s0 =	sor.u32 s3, s0;
	s1 =	sshll.u32 s1, $0x11  }
0xba: {  	s0 =	sor.u32 s1, s0  }
0xbb: {  	s0 =	sadd.s32 $0x8F2B, s0  }
0xbc: {  	[sflag:s0] =	ssyncadd.remote.s32 $0x1  }
0xbd: {  	_ =	sfence.sel $0xFFFF  }
0xbe: {  	[dreg:$0x0] =	wrdreg $0xFFFFFFFF;
	(pc) =	sbr.abs _section_cstart, $3  }
0xbf: {  	[dreg:$0x1] =	wrdreg $0xFFFFFFFF  }
0xc0: {  	_ =	task.clear_ibuf [dreg:s6], $0x2FFFF;
	_ =	strace $0x9FFFFFFF  }
0xc1: {  	(tm) =	ssettm $0x7FFFFFFF  }
tec
execute0_lowered:
.L_overlay_start_1:
0x0: {  	(tag) =	ssettag $0x1  }
0x1: {  	s1 =	srdreg.scid  }
0x2: {  	s0 =	stileid.u32;
	s4 =	sand.u32 $0x1, s1  }
0x3: {  	s26 =	sshll.u32 s0, $0x8;
	s2 =	sshll.u32 s4, $0x7  }
0x4: {  	s5 =	sor.u32 s2, s26  }
0x5: {  	v0 =	vmov s5;
	s2 =	sor.u32 $0x30, s5  }
0x6: {  	s28 =	sor.u32 $0x40, s5;
	s3 =	sor.u32 $0x70, s5;
	s29 =	sor.u32 $0x50, s5;
	v0 =	vshll.u32 v0, $0x8;
	v1 =	vmov s2  }
0x7: {  	s7 =	sor.u32 $0x60, s5;
	v2 =	vmov s28;
	v3 =	vmov s3;
	v4 =	vmov s29  }
0x8: {  	v6 =	vmov s7;
	v7 =	vbroadcast v0, $0x0;
	v0 =	vlaneseq.u32  }
0x9: {  	v1 =	vshll.u32 v1, $0x8;
	v2 =	vshll.u32 v2, $0x8;
	v3 =	vshll.u32 v3, $0x8  }
0xa: {  	s1 =	sor.u32 $0x20, s5;
	v4 =	vshll.u32 v4, $0x8;
	v5 =	vmul.u32 $0x10, v0;
	v2 =	vbroadcast v2, $0x0  }
0xb: {  	s6 =	rddreg [dreg:$0x0];
	s2 =	simm.s32 $0x0;
	v6 =	vshll.u32 v6, $0x8;
	v0 =	vmov s1;
	v1 =	vand.u32 $0xFFFFA000, v1  }
0xc: {  	[smem:$0x7FF] =	sst s2;
	v3 =	vand.u32 $0xFFFFE000, v3;
	v1 =	vbroadcast v1, $0x0;
	v2 =	vor.u32 v5, v2  }
0xd: {  	s1 =	rddreg [dreg:$0x1];
	_ =	strace $0x80000047;
	v9 =	vbroadcast v3, $0x0;
	v8 =	vor.u32 $0x100, v5;
	v3 =	vor.u32 v5, v7;
	[tilespmem:$0x40] =	vst v2  }
0xe: {  	v4 =	vand.u32 $0xFFFFC000, v4;
	v0 =	vshll.u32 v0, $0x8;
	v1 =	vor.u32 v8, v1;
	[tilespmem:$0x0] =	vst v3  }
0xf: {  	v10 =	vbroadcast v4, $0x0;
	v0 =	vbroadcast v0, $0x0;
	v4 =	vor.u32 v8, v9;
	[tilespmem:$0x30] =	vst v1  }
0x10: {  	v6 =	vbroadcast v6, $0x0;
	v7 =	vor.u32 v8, v7;
	[tilespmem:$0x70] =	vst v4  }
0x11: {  	s8 =	ssub.s32 $0x2, s4;
	v0 =	vor.u32 v5, v0;
	[tilespmem:$0x10] =	vst v7  }
0x12: {  	s31 =	sshrl.u32 s8, $0x1;
	v5 =	vor.u32 v5, v6;
	[tilespmem:$0x20] =	vst v0  }
0x13: {  	s4 =	simm.s32 $0x80;
	s30 =	sshrl.u32 s5, $0x3;
	s7 =	ssub.s32 s8, s31;
	v6 =	vor.u32 v8, v10;
	[tilespmem:$0x60] =	vst v5  }
0x14: {  	s5 =	simm.s32 $0x1;
	s3 =	sadd.s32 $0x800, s6;
	s8 =	smax.u32 s7, $0x1;
	[tilespmem:$0x50] =	vst v6  }
0x15: {  	[tilespmem:s4], [sflag:$0x1] =	stream.indirect.gather [hbm4b:s3+s4], $0x1, s2, s4, $0xb8;
	[tilespmem:$0x100] =	vst v63  }
0x16: {  	p0 =	sne.s32 s8, $0x1;
	_ =	swait.ge [sflag:s5], $0x80  }
.Ltmp0:
0x17: {  	s6 =	sadd.s32 s30, s6;
	[sflag:s5] =	ssyncset.done $0x0;
	(pc) =	sbr.rel @!p0 .LBB2_2-.Ltmp0, $4  }
0x18: {  	s6 =	sadd.s32 $0x20800, s6;
	s7 =	simm.s32 $0x2;
	[sflag:s5] =	ssyncadd.s32 $0xFFFFFF80  }
0x19: {  	[hbm4b:s6+s2] =	stream.linear.scatter [tilespmem:s4], [sflag:$0x2], $0x80, $0x38;
	[tilespmem:$0x100] =	vst v63  }
0x1a: {  	_ =	swait.ge [sflag:s7], $0x80  }
0x1b: {  	s8 =	sadd.s32 $0xFFFFFFFF, s8;
	[sflag:s7] =	ssyncset.done $0x0  }
.LBB2_1:
0x1c: {  	p0 =	sne.s32 s8, $0x1;
	s8 =	sadd.s32 $0xFFFFFFFF, s8;
	[sflag:s7] =	ssyncadd.s32 $0xFFFFFF80  }
0x1d: {  	[tilespmem:$0x20] =	vst v0  }
0x1e: {  	[tilespmem:$0x30] =	vst v1  }
0x1f: {  	[tilespmem:$0x40] =	vst v2  }
0x20: {  	[tilespmem:$0x0] =	vst v3  }
0x21: {  	[tilespmem:$0x70] =	vst v4  }
0x22: {  	[tilespmem:$0x60] =	vst v5  }
0x23: {  	[tilespmem:$0x50] =	vst v6  }
0x24: {  	[tilespmem:$0x10] =	vst v7  }
0x25: {  	[tilespmem:s4], [sflag:$0x1] =	stream.indirect.gather [hbm4b:s3+s4], $0x1, s2, s4, $0xb8;
	[tilespmem:$0x100] =	vst v63  }
0x26: {  	_ =	swait.ge [sflag:s5], $0x80  }
.Ltmp1:
0x27: {  	[sflag:s5] =	ssyncset.done $0x0;
	(pc) =	sbr.rel @p0 .LBB2_1-.Ltmp1, $4  }
0x28: {  	[sflag:s5] =	ssyncadd.s32 $0xFFFFFF80  }
0x29: {  	[hbm4b:s6+s2] =	stream.linear.scatter [tilespmem:s4], [sflag:$0x2], $0x80, $0x38;
	[tilespmem:$0x100] =	vst v63  }
0x2a: {  	_ =	swait.ge [sflag:s7], $0x80  }
0x2b: {  	[sflag:s7] =	ssyncset.done $0x0  }
.LBB2_2:
0x2c: {  	[sflag:s7] =	ssyncadd.s32 $0xFFFFFF80  }
0x2d: {  	_ =	sfence.sel $0x180000  }
0x2e: {  	[bflag:$0x0] =	sbarrier.arrive $0xFFFF  }
0x2f: {  	p0 =	sne.s32 s0, $0x0;
	_ =	strace $0x90000047  }
0x30: {  	s0 =	sadd.s32 @!p0 $0x100000, s1;
	[bflag:$0x2] =	sbarrier.arrive $0xFFFF  }
0x31: {  	[sflag:s0] =	ssyncadd.tile.s32 @!p0 $0x1;
	_ =	shalt  }
.Lfunc_end2:
_tile_overlayer_lowered:
.L_overlay_start_2:
0x32: {  	(tag) =	ssettag $0x2  }
0x33: {  	s0 =	rddreg [dreg:$0x0];
	s2 =	stileid.u32  }
0x34: {  	s1 =	rddreg [dreg:$0x1];
	p0 =	sne.s32 s2, $0x0  }
0x35: {  	s3 =	rddreg [dreg:$0x2];
	[bflag:$0x3] =	sbarrier.arrive $0xFFFF;
	s2 =	simm.s32 @!p0 $0x1C02  }
0x36: {  	[timem:s3], [sflag:s2] =	dma.local @!p0 [hbm:s0], s1  }
0x37: {  	s0 =	simm.s32 @!p0 $0x2  }
0x38: {  	_ =	swait.ge @!p0 [sflag:s0], s1  }
0x39: {  	s1 =	ssub.s32 @!p0 $0x0, s1;
	[sflag:s0] =	ssyncset.done @!p0 $0x0  }
0x3a: {  	[sflag:s0] =	ssyncadd.s32 @!p0 s1  }
0x3b: {  	[bflag:$0x3] =	sbarrier.arrive $0xFFFF  }
0x3c: {  	_ =	shalt  }

</sc_bundles>
